<compile_context>
chip_gen: v7x
topology: tpu7x:2x2x1
jax: 0.10.2.dev20260603
libtpu: 0.0.44.dev20260713+nightly
codegen_flags: <defaults>
</compile_context>

<pallas_src>
import dataclasses
import functools

import jax
import jax.numpy as jnp
from jax import lax
from jax.experimental import pallas as pl
from jax.experimental.pallas import tpu as pltpu
from jax.experimental.pallas import tpu_sc as plsc

_SC_CORES = 2
_SC_SUBCORES = 16
_SC_WORKERS = _SC_CORES * _SC_SUBCORES
_SC_LANES = 16

_QB = 2048
_KC = 128


def _top2_body(q_ref, k_ref, i1_ref, i2_ref, ga_ref, gc_ref):
    b = pl.program_id(0)
    qb = pl.program_id(1)
    n = k_ref.shape[2]
    x_q = q_ref[0, :, 0:1]
    y_q = q_ref[0, :, 1:2]
    z_q = q_ref[0, :, 2:3]

    lane = lax.broadcasted_iota(jnp.int32, (_QB, _KC), 1)
    delta = (lax.broadcasted_iota(jnp.int32, (_QB, _KC), 0) + qb * _QB) - lane
    inf = jnp.float32(jnp.inf)
    m1 = jnp.full((_QB, _KC), inf)
    m2 = jnp.full((_QB, _KC), inf)
    nb = n // _KC
    c1 = jnp.full((_QB, _KC), nb, jnp.int32)
    c2 = jnp.full((_QB, _KC), nb, jnp.int32)
    for c in range(nb):
        x_k = k_ref[0, 0:1, pl.ds(c * _KC, _KC)]
        y_k = k_ref[0, 1:2, pl.ds(c * _KC, _KC)]
        z_k = k_ref[0, 2:3, pl.ds(c * _KC, _KC)]
        dx = x_q - x_k
        d2 = dx * dx
        dy = y_q - y_k
        d2 = d2 + dy * dy
        dz = z_q - z_k
        d2 = d2 + dz * dz
        v = jnp.sqrt(d2)
        v = jnp.where(delta == c * _KC, jnp.float32(1e9), v)
        take1 = v < m1
        take2 = v < m2
        m2n = jnp.where(take2, v, m2)
        c2n = jnp.where(take2, c, c2)
        m2 = jnp.where(take1, m1, m2n)
        c2 = jnp.where(take1, c1, c2n)
        m1 = jnp.where(take1, v, m1)
        c1 = jnp.where(take1, c, c1)

    i1 = c1 * _KC + lane
    i2 = c2 * _KC + lane
    big1 = jnp.min(m1, axis=1, keepdims=True)
    big_i1 = jnp.min(jnp.where(m1 == big1, i1, n), axis=1, keepdims=True)
    win = i1 == big_i1
    vals2 = jnp.where(win, m2, m1)
    idx2 = jnp.where(win, i2, i1)
    big2 = jnp.min(vals2, axis=1, keepdims=True)
    big_i2 = jnp.min(jnp.where(vals2 == big2, idx2, n), axis=1, keepdims=True)

    i1_ref[0] = big_i1
    i2_ref[0] = big_i2
    base = b * n
    ga_ref[0] = big_i1 + base
    gc_ref[0] = big_i2 + base


def _tc_top2(coords, coords_k):
    bsz, n, _ = coords.shape
    grid = (bsz, n // _QB)
    ispec = pl.BlockSpec((1, _QB, 1), lambda b, q: (b, q, 0))
    ishape = jax.ShapeDtypeStruct((bsz, n, 1), jnp.int32)
    return pl.pallas_call(
        _top2_body,
        grid=grid,
        in_specs=[
            pl.BlockSpec((1, _QB, 3), lambda b, q: (b, q, 0)),
            pl.BlockSpec((1, 8, n), lambda b, q: (b, 0, 0)),
        ],
        out_specs=[ispec, ispec, ispec, ispec],
        out_shape=[ishape, ishape, ishape, ishape],
    )(coords, coords_k)


def _sc_gather(table_t, idx_a, idx_c):
    rows = idx_a.shape[1]
    per_worker = rows * 128
    v = table_t.shape[1]
    mesh = plsc.VectorSubcoreMesh(core_axis_name="c", subcore_axis_name="s")
    out_t = jax.ShapeDtypeStruct((_SC_WORKERS, 3, per_worker), jnp.float32)

    cp = pltpu.CompilerParams()
    if "needs_layout_passes" in pltpu.CompilerParams.__dataclass_fields__:
        cp = dataclasses.replace(cp, needs_layout_passes=False)

    @functools.partial(
        pl.kernel,
        mesh=mesh,
        out_type=[out_t, out_t],
        scratch_types=[
            pltpu.VMEM((3, v), jnp.float32),
            pltpu.VMEM((rows, 128), jnp.int32),
            pltpu.VMEM((rows, 128), jnp.int32),
            pltpu.VMEM((3, per_worker), jnp.float32),
            pltpu.VMEM((3, per_worker), jnp.float32),
            pltpu.SemaphoreType.DMA,
        ],
        compiler_params=cp,
    )
    def gather_kernel(tab_hbm, ia_hbm, ic_hbm, oa_hbm, oc_hbm,
                      tab_v, ia_v, ic_v, ba_v, bc_v, sem):
        wid = lax.axis_index("s") * _SC_CORES + lax.axis_index("c")
        tab_cp = pltpu.async_copy(tab_hbm, tab_v, sem)
        pltpu.sync_copy(ia_hbm.at[wid], ia_v)
        pltpu.sync_copy(ic_hbm.at[wid], ic_v)
        tab_cp.wait()
        for idx_v, buf_v in ((ia_v, ba_v), (ic_v, bc_v)):
            for r in range(rows):
                for g in range(128 // _SC_LANES):
                    iv = idx_v[r, pl.ds(g * _SC_LANES, _SC_LANES)]
                    pos = r * 128 + g * _SC_LANES
                    for c in range(3):
                        cv = jnp.full((_SC_LANES,), c, jnp.int32)
                        vals = plsc.load_gather(tab_v, [cv, iv])
                        buf_v[c, pl.ds(pos, _SC_LANES)] = vals
        pltpu.sync_copy(ba_v, oa_hbm.at[wid])
        pltpu.sync_copy(bc_v, oc_hbm.at[wid])

    return gather_kernel(table_t, idx_a, idx_c)


def kernel(coords, mask):
    del mask
    bsz, n, _ = coords.shape
    coords_k = jnp.transpose(
        jnp.pad(coords, ((0, 0), (0, 0), (0, 5))), (0, 2, 1)
    )
    i1, i2, ga, gc = _tc_top2(coords, coords_k)
    table_t = jnp.transpose(coords.reshape(bsz * n, 3))
    rows = (bsz * n) // (_SC_WORKERS * 128)
    out_a, out_c = _sc_gather(
        table_t,
        ga.reshape(_SC_WORKERS, rows, 128),
        gc.reshape(_SC_WORKERS, rows, 128),
    )
    a = jnp.transpose(out_a, (0, 2, 1)).reshape(bsz, n, 3)
    c = jnp.transpose(out_c, (0, 2, 1)).reshape(bsz, n, 3)
    return a, c, i1.reshape(bsz, n), i2.reshape(bsz, n)

# --- scband reference (transcript-rebuilt; emitter-appended) ---
"""Pipeline reference for scband-construct-abc-3178275799347 (READ-ONLY COPY).

The authoritative reference and input builder live on the scoring server;
editing this copy changes nothing except your own understanding.
"""

import jax, jax.numpy as jnp
import numpy as np


def setup_inputs(seed: int = 0) -> dict:
    key = jax.random.key(seed)
    k1, k2 = jax.random.split(key)
    coords = jax.random.normal(k1, (4, 2048, 3), dtype=jnp.float32)
    mask = jnp.ones((4, 2048), dtype=bool)
    return {"coords": coords, "mask": mask}


def reference(coords, mask):
    B, N, _ = coords.shape
    # pairwise differences: [B, N, N, 3]
    coords_expanded_1 = coords[:, :, None, :]
    coords_expanded_2 = coords[:, None, :, :]
    diff = coords_expanded_1 - coords_expanded_2
    distances = jnp.linalg.norm(diff, axis=3)
    # mask out self-distances on the diagonal
    distances = distances + jnp.eye(N, dtype=coords.dtype)[None, :, :] * 1000000000.0
    nearest_neighbors = jnp.argsort(distances, axis=2)
    first_nearest_indices = nearest_neighbors[:, :, 0]
    second_nearest_indices = nearest_neighbors[:, :, 1]
    A = jnp.take_along_axis(
        coords, jnp.broadcast_to(first_nearest_indices[..., None], (B, N, 3)), axis=1
    )
    C = jnp.take_along_axis(
        coords, jnp.broadcast_to(second_nearest_indices[..., None], (B, N, 3)), axis=1
    )
    return (A, C, first_nearest_indices, second_nearest_indices)

if __name__ == "__main__":
    import jax
    _d = setup_inputs()
    print(jax.jit(kernel)(*tuple(_d.values())))

</pallas_src>

<mosaic_0001>
#map = affine_map<(d0, d1) -> (0, 0)>
#map1 = affine_map<(d0, d1) -> (0, 0, 0)>
module attributes {stable_mosaic.version = 14 : i64} {
  func.func @gather_kernel(%arg0: i32, %arg1: i32, %arg2: memref<3x8192xf32, #tpu.memory_space<hbm>>, %arg3: memref<32x2x128xi32, #tpu.memory_space<hbm>>, %arg4: memref<32x2x128xi32, #tpu.memory_space<hbm>>, %arg5: memref<32x3x256xf32, #tpu.memory_space<hbm>>, %arg6: memref<32x3x256xf32, #tpu.memory_space<hbm>>, %arg7: memref<3x8192xf32, #tpu.memory_space<vmem>>, %arg8: memref<2x128xi32, #tpu.memory_space<vmem>>, %arg9: memref<2x128xi32, #tpu.memory_space<vmem>>, %arg10: memref<3x256xf32, #tpu.memory_space<vmem>>, %arg11: memref<3x256xf32, #tpu.memory_space<vmem>>, %arg12: memref<!tpu.dma_semaphore, #tpu.memory_space<semaphore_mem>>) attributes {dimension_semantics = [#tpu.dimension_semantics<core_parallel>, #tpu.dimension_semantics<subcore_parallel>], iteration_bounds = array<i64: 2, 16>, scalar_prefetch = 0 : i64, scratch_operands = 6 : i64, tpu.core_type = #tpu.core_type<sc_vector_subcore>, window_params = [{transform_indices = #map}, {transform_indices = #map1}, {transform_indices = #map1}, {transform_indices = #map1}, {transform_indices = #map1}]} {
    %mul3A = arith.constant 2 : i32
    %mul3A_0 = arith.muli %arg1, %mul3A : i32
    %add3A = arith.addi %mul3A_0, %arg0 : i32
    tpu.enqueue_dma source(%arg2 : memref<3x8192xf32, #tpu.memory_space<hbm>>) target(%arg7 : memref<3x8192xf32, #tpu.memory_space<vmem>>) target_semaphore(%arg12 : memref<!tpu.dma_semaphore, #tpu.memory_space<semaphore_mem>>)
    "tpu.region"() ({
      %run_scoped3A = tpu.sem_alloc : memref<!tpu.dma_semaphore, #tpu.memory_space<semaphore_mem>>
      %dma_start3A = arith.constant 0 : i32
      %dma_start3A_797 = arith.constant 0 : i32
      %dma_start3A_798 = tpu.memref_slice %arg3[%add3A, %dma_start3A, %dma_start3A_797] : memref<32x2x128xi32, #tpu.memory_space<hbm>> -> memref<1x2x128xi32, #tpu.memory_space<hbm>>
      %dma_start3A_799 = tpu.memref_squeeze %dma_start3A_798 : memref<1x2x128xi32, #tpu.memory_space<hbm>> -> memref<2x128xi32, #tpu.memory_space<hbm>>
      %dma_start3A_800 = arith.constant 0 : i32
      %dma_start3A_801 = arith.constant 0 : i32
      %dma_start3A_802 = tpu.memref_slice %arg3[%add3A, %dma_start3A_800, %dma_start3A_801] : memref<32x2x128xi32, #tpu.memory_space<hbm>> -> memref<1x2x128xi32, #tpu.memory_space<hbm>>
      %dma_start3A_803 = tpu.memref_squeeze %dma_start3A_802 : memref<1x2x128xi32, #tpu.memory_space<hbm>> -> memref<2x128xi32, #tpu.memory_space<hbm>>
      tpu.enqueue_dma source(%dma_start3A_803 : memref<2x128xi32, #tpu.memory_space<hbm>>) target(%arg8 : memref<2x128xi32, #tpu.memory_space<vmem>>) target_semaphore(%run_scoped3A : memref<!tpu.dma_semaphore, #tpu.memory_space<semaphore_mem>>)
      %dma_wait3A = arith.constant 0 : i32
      %dma_wait3A_804 = arith.constant 0 : i32
      %dma_wait3A_805 = tpu.memref_slice %arg3[%add3A, %dma_wait3A, %dma_wait3A_804] : memref<32x2x128xi32, #tpu.memory_space<hbm>> -> memref<1x2x128xi32, #tpu.memory_space<hbm>>
      %dma_wait3A_806 = tpu.memref_squeeze %dma_wait3A_805 : memref<1x2x128xi32, #tpu.memory_space<hbm>> -> memref<2x128xi32, #tpu.memory_space<hbm>>
      %dma_wait3A_807 = arith.constant 0 : i32
      %dma_wait3A_808 = arith.constant 0 : i32
      %dma_wait3A_809 = tpu.memref_slice %arg3[%add3A, %dma_wait3A_807, %dma_wait3A_808] : memref<32x2x128xi32, #tpu.memory_space<hbm>> -> memref<1x2x128xi32, #tpu.memory_space<hbm>>
      %dma_wait3A_810 = tpu.memref_squeeze %dma_wait3A_809 : memref<1x2x128xi32, #tpu.memory_space<hbm>> -> memref<2x128xi32, #tpu.memory_space<hbm>>
      tpu.wait_dma2 semaphore(%run_scoped3A : memref<!tpu.dma_semaphore, #tpu.memory_space<semaphore_mem>>) src(%dma_wait3A_810 : memref<2x128xi32, #tpu.memory_space<hbm>>) dst(%arg8 : memref<2x128xi32, #tpu.memory_space<vmem>>)
      tpu.yield
    }) : () -> ()
    "tpu.region"() ({
      %run_scoped3A = tpu.sem_alloc : memref<!tpu.dma_semaphore, #tpu.memory_space<semaphore_mem>>
      %dma_start3A = arith.constant 0 : i32
      %dma_start3A_797 = arith.constant 0 : i32
      %dma_start3A_798 = tpu.memref_slice %arg4[%add3A, %dma_start3A, %dma_start3A_797] : memref<32x2x128xi32, #tpu.memory_space<hbm>> -> memref<1x2x128xi32, #tpu.memory_space<hbm>>
      %dma_start3A_799 = tpu.memref_squeeze %dma_start3A_798 : memref<1x2x128xi32, #tpu.memory_space<hbm>> -> memref<2x128xi32, #tpu.memory_space<hbm>>
      %dma_start3A_800 = arith.constant 0 : i32
      %dma_start3A_801 = arith.constant 0 : i32
      %dma_start3A_802 = tpu.memref_slice %arg4[%add3A, %dma_start3A_800, %dma_start3A_801] : memref<32x2x128xi32, #tpu.memory_space<hbm>> -> memref<1x2x128xi32, #tpu.memory_space<hbm>>
      %dma_start3A_803 = tpu.memref_squeeze %dma_start3A_802 : memref<1x2x128xi32, #tpu.memory_space<hbm>> -> memref<2x128xi32, #tpu.memory_space<hbm>>
      tpu.enqueue_dma source(%dma_start3A_803 : memref<2x128xi32, #tpu.memory_space<hbm>>) target(%arg9 : memref<2x128xi32, #tpu.memory_space<vmem>>) target_semaphore(%run_scoped3A : memref<!tpu.dma_semaphore, #tpu.memory_space<semaphore_mem>>)
      %dma_wait3A = arith.constant 0 : i32
      %dma_wait3A_804 = arith.constant 0 : i32
      %dma_wait3A_805 = tpu.memref_slice %arg4[%add3A, %dma_wait3A, %dma_wait3A_804] : memref<32x2x128xi32, #tpu.memory_space<hbm>> -> memref<1x2x128xi32, #tpu.memory_space<hbm>>
      %dma_wait3A_806 = tpu.memref_squeeze %dma_wait3A_805 : memref<1x2x128xi32, #tpu.memory_space<hbm>> -> memref<2x128xi32, #tpu.memory_space<hbm>>
      %dma_wait3A_807 = arith.constant 0 : i32
      %dma_wait3A_808 = arith.constant 0 : i32
      %dma_wait3A_809 = tpu.memref_slice %arg4[%add3A, %dma_wait3A_807, %dma_wait3A_808] : memref<32x2x128xi32, #tpu.memory_space<hbm>> -> memref<1x2x128xi32, #tpu.memory_space<hbm>>
      %dma_wait3A_810 = tpu.memref_squeeze %dma_wait3A_809 : memref<1x2x128xi32, #tpu.memory_space<hbm>> -> memref<2x128xi32, #tpu.memory_space<hbm>>
      tpu.wait_dma2 semaphore(%run_scoped3A : memref<!tpu.dma_semaphore, #tpu.memory_space<semaphore_mem>>) src(%dma_wait3A_810 : memref<2x128xi32, #tpu.memory_space<hbm>>) dst(%arg9 : memref<2x128xi32, #tpu.memory_space<vmem>>)
      tpu.yield
    }) : () -> ()
    tpu.wait_dma2 semaphore(%arg12 : memref<!tpu.dma_semaphore, #tpu.memory_space<semaphore_mem>>) src(%arg2 : memref<3x8192xf32, #tpu.memory_space<hbm>>) dst(%arg7 : memref<3x8192xf32, #tpu.memory_space<vmem>>)
    %get3A = arith.constant 0 : i32
    %get3A_1 = arith.index_cast %get3A : i32 to index
    %get3A_2 = arith.constant 0 : index
    %get3A_3 = tpu.vector_load %arg8[%get3A_1, %get3A_2] {strides = array<i32>} : memref<2x128xi32, #tpu.memory_space<vmem>>, vector<16xi32>,
    %broadcast_in_dim3A = arith.constant 0 : i32
    %broadcast_in_dim3A_4 = vector.broadcast %broadcast_in_dim3A : i32 to vector<16xi32>
    %gather3A = tpu.vector_load_idx %arg7[%broadcast_in_dim3A_4, %get3A_3] : memref<3x8192xf32, #tpu.memory_space<vmem>>[vector<16xi32>, vector<16xi32>], vector<16xf32>,
    %swap3A = arith.constant 0 : i32
    %swap3A_5 = arith.index_cast %swap3A : i32 to index
    %swap3A_6 = arith.constant 0 : index
    %swap3A_7 = tpu.vector_load %arg10[%swap3A_5, %swap3A_6] {strides = array<i32>} : memref<3x256xf32, #tpu.memory_space<vmem>>, vector<16xf32>,
    tpu.vector_store %arg10[%swap3A_5, %swap3A_6], %gather3A {strides = array<i32>} : memref<3x256xf32, #tpu.memory_space<vmem>>, vector<16xf32>,
    %broadcast_in_dim3A_8 = arith.constant 1 : i32
    %broadcast_in_dim3A_9 = vector.broadcast %broadcast_in_dim3A_8 : i32 to vector<16xi32>
    %gather3A_10 = tpu.vector_load_idx %arg7[%broadcast_in_dim3A_9, %get3A_3] : memref<3x8192xf32, #tpu.memory_space<vmem>>[vector<16xi32>, vector<16xi32>], vector<16xf32>,
    %swap3A_11 = arith.constant 1 : i32
    %swap3A_12 = arith.index_cast %swap3A_11 : i32 to index
    %swap3A_13 = arith.constant 0 : index
    %swap3A_14 = tpu.vector_load %arg10[%swap3A_12, %swap3A_13] {strides = array<i32>} : memref<3x256xf32, #tpu.memory_space<vmem>>, vector<16xf32>,
    tpu.vector_store %arg10[%swap3A_12, %swap3A_13], %gather3A_10 {strides = array<i32>} : memref<3x256xf32, #tpu.memory_space<vmem>>, vector<16xf32>,
    %broadcast_in_dim3A_15 = arith.constant 2 : i32
    %broadcast_in_dim3A_16 = vector.broadcast %broadcast_in_dim3A_15 : i32 to vector<16xi32>
    %gather3A_17 = tpu.vector_load_idx %arg7[%broadcast_in_dim3A_16, %get3A_3] : memref<3x8192xf32, #tpu.memory_space<vmem>>[vector<16xi32>, vector<16xi32>], vector<16xf32>,
    %swap3A_18 = arith.constant 2 : i32
    %swap3A_19 = arith.index_cast %swap3A_18 : i32 to index
    %swap3A_20 = arith.constant 0 : index
    %swap3A_21 = tpu.vector_load %arg10[%swap3A_19, %swap3A_20] {strides = array<i32>} : memref<3x256xf32, #tpu.memory_space<vmem>>, vector<16xf32>,
    tpu.vector_store %arg10[%swap3A_19, %swap3A_20], %gather3A_17 {strides = array<i32>} : memref<3x256xf32, #tpu.memory_space<vmem>>, vector<16xf32>,
    %get3A_22 = arith.constant 0 : i32
    %get3A_23 = arith.index_cast %get3A_22 : i32 to index
    %get3A_24 = arith.constant 16 : index
    %get3A_25 = tpu.vector_load %arg8[%get3A_23, %get3A_24] {strides = array<i32>} : memref<2x128xi32, #tpu.memory_space<vmem>>, vector<16xi32>,
    %broadcast_in_dim3A_26 = arith.constant 0 : i32
    %broadcast_in_dim3A_27 = vector.broadcast %broadcast_in_dim3A_26 : i32 to vector<16xi32>
    %gather3A_28 = tpu.vector_load_idx %arg7[%broadcast_in_dim3A_27, %get3A_25] : memref<3x8192xf32, #tpu.memory_space<vmem>>[vector<16xi32>, vector<16xi32>], vector<16xf32>,
    %swap3A_29 = arith.constant 0 : i32
    %swap3A_30 = arith.index_cast %swap3A_29 : i32 to index
    %swap3A_31 = arith.constant 16 : index
    %swap3A_32 = tpu.vector_load %arg10[%swap3A_30, %swap3A_31] {strides = array<i32>} : memref<3x256xf32, #tpu.memory_space<vmem>>, vector<16xf32>,
    tpu.vector_store %arg10[%swap3A_30, %swap3A_31], %gather3A_28 {strides = array<i32>} : memref<3x256xf32, #tpu.memory_space<vmem>>, vector<16xf32>,
    %broadcast_in_dim3A_33 = arith.constant 1 : i32
    %broadcast_in_dim3A_34 = vector.broadcast %broadcast_in_dim3A_33 : i32 to vector<16xi32>
    %gather3A_35 = tpu.vector_load_idx %arg7[%broadcast_in_dim3A_34, %get3A_25] : memref<3x8192xf32, #tpu.memory_space<vmem>>[vector<16xi32>, vector<16xi32>], vector<16xf32>,
    %swap3A_36 = arith.constant 1 : i32
    %swap3A_37 = arith.index_cast %swap3A_36 : i32 to index
    %swap3A_38 = arith.constant 16 : index
    %swap3A_39 = tpu.vector_load %arg10[%swap3A_37, %swap3A_38] {strides = array<i32>} : memref<3x256xf32, #tpu.memory_space<vmem>>, vector<16xf32>,
    tpu.vector_store %arg10[%swap3A_37, %swap3A_38], %gather3A_35 {strides = array<i32>} : memref<3x256xf32, #tpu.memory_space<vmem>>, vector<16xf32>,
    %broadcast_in_dim3A_40 = arith.constant 2 : i32
    %broadcast_in_dim3A_41 = vector.broadcast %broadcast_in_dim3A_40 : i32 to vector<16xi32>
    %gather3A_42 = tpu.vector_load_idx %arg7[%broadcast_in_dim3A_41, %get3A_25] : memref<3x8192xf32, #tpu.memory_space<vmem>>[vector<16xi32>, vector<16xi32>], vector<16xf32>,
    %swap3A_43 = arith.constant 2 : i32
    %swap3A_44 = arith.index_cast %swap3A_43 : i32 to index
    %swap3A_45 = arith.constant 16 : index
    %swap3A_46 = tpu.vector_load %arg10[%swap3A_44, %swap3A_45] {strides = array<i32>} : memref<3x256xf32, #tpu.memory_space<vmem>>, vector<16xf32>,
    tpu.vector_store %arg10[%swap3A_44, %swap3A_45], %gather3A_42 {strides = array<i32>} : memref<3x256xf32, #tpu.memory_space<vmem>>, vector<16xf32>,
    %get3A_47 = arith.constant 0 : i32
    %get3A_48 = arith.index_cast %get3A_47 : i32 to index
    %get3A_49 = arith.constant 32 : index
    %get3A_50 = tpu.vector_load %arg8[%get3A_48, %get3A_49] {strides = array<i32>} : memref<2x128xi32, #tpu.memory_space<vmem>>, vector<16xi32>,
    %broadcast_in_dim3A_51 = arith.constant 0 : i32
    %broadcast_in_dim3A_52 = vector.broadcast %broadcast_in_dim3A_51 : i32 to vector<16xi32>
    %gather3A_53 = tpu.vector_load_idx %arg7[%broadcast_in_dim3A_52, %get3A_50] : memref<3x8192xf32, #tpu.memory_space<vmem>>[vector<16xi32>, vector<16xi32>], vector<16xf32>,
    %swap3A_54 = arith.constant 0 : i32
    %swap3A_55 = arith.index_cast %swap3A_54 : i32 to index
    %swap3A_56 = arith.constant 32 : index
    %swap3A_57 = tpu.vector_load %arg10[%swap3A_55, %swap3A_56] {strides = array<i32>} : memref<3x256xf32, #tpu.memory_space<vmem>>, vector<16xf32>,
    tpu.vector_store %arg10[%swap3A_55, %swap3A_56], %gather3A_53 {strides = array<i32>} : memref<3x256xf32, #tpu.memory_space<vmem>>, vector<16xf32>,
    %broadcast_in_dim3A_58 = arith.constant 1 : i32
    %broadcast_in_dim3A_59 = vector.broadcast %broadcast_in_dim3A_58 : i32 to vector<16xi32>
    %gather3A_60 = tpu.vector_load_idx %arg7[%broadcast_in_dim3A_59, %get3A_50] : memref<3x8192xf32, #tpu.memory_space<vmem>>[vector<16xi32>, vector<16xi32>], vector<16xf32>,
    %swap3A_61 = arith.constant 1 : i32
    %swap3A_62 = arith.index_cast %swap3A_61 : i32 to index
    %swap3A_63 = arith.constant 32 : index
    %swap3A_64 = tpu.vector_load %arg10[%swap3A_62, %swap3A_63] {strides = array<i32>} : memref<3x256xf32, #tpu.memory_space<vmem>>, vector<16xf32>,
    tpu.vector_store %arg10[%swap3A_62, %swap3A_63], %gather3A_60 {strides = array<i32>} : memref<3x256xf32, #tpu.memory_space<vmem>>, vector<16xf32>,
    %broadcast_in_dim3A_65 = arith.constant 2 : i32
    %broadcast_in_dim3A_66 = vector.broadcast %broadcast_in_dim3A_65 : i32 to vector<16xi32>
    %gather3A_67 = tpu.vector_load_idx %arg7[%broadcast_in_dim3A_66, %get3A_50] : memref<3x8192xf32, #tpu.memory_space<vmem>>[vector<16xi32>, vector<16xi32>], vector<16xf32>,
    %swap3A_68 = arith.constant 2 : i32
    %swap3A_69 = arith.index_cast %swap3A_68 : i32 to index
    %swap3A_70 = arith.constant 32 : index
    %swap3A_71 = tpu.vector_load %arg10[%swap3A_69, %swap3A_70] {strides = array<i32>} : memref<3x256xf32, #tpu.memory_space<vmem>>, vector<16xf32>,
    tpu.vector_store %arg10[%swap3A_69, %swap3A_70], %gather3A_67 {strides = array<i32>} : memref<3x256xf32, #tpu.memory_space<vmem>>, vector<16xf32>,
    %get3A_72 = arith.constant 0 : i32
    %get3A_73 = arith.index_cast %get3A_72 : i32 to index
    %get3A_74 = arith.constant 48 : index
    %get3A_75 = tpu.vector_load %arg8[%get3A_73, %get3A_74] {strides = array<i32>} : memref<2x128xi32, #tpu.memory_space<vmem>>, vector<16xi32>,
    %broadcast_in_dim3A_76 = arith.constant 0 : i32
    %broadcast_in_dim3A_77 = vector.broadcast %broadcast_in_dim3A_76 : i32 to vector<16xi32>
    %gather3A_78 = tpu.vector_load_idx %arg7[%broadcast_in_dim3A_77, %get3A_75] : memref<3x8192xf32, #tpu.memory_space<vmem>>[vector<16xi32>, vector<16xi32>], vector<16xf32>,
    %swap3A_79 = arith.constant 0 : i32
    %swap3A_80 = arith.index_cast %swap3A_79 : i32 to index
    %swap3A_81 = arith.constant 48 : index
    %swap3A_82 = tpu.vector_load %arg10[%swap3A_80, %swap3A_81] {strides = array<i32>} : memref<3x256xf32, #tpu.memory_space<vmem>>, vector<16xf32>,
    tpu.vector_store %arg10[%swap3A_80, %swap3A_81], %gather3A_78 {strides = array<i32>} : memref<3x256xf32, #tpu.memory_space<vmem>>, vector<16xf32>,
    %broadcast_in_dim3A_83 = arith.constant 1 : i32
    %broadcast_in_dim3A_84 = vector.broadcast %broadcast_in_dim3A_83 : i32 to vector<16xi32>
    %gather3A_85 = tpu.vector_load_idx %arg7[%broadcast_in_dim3A_84, %get3A_75] : memref<3x8192xf32, #tpu.memory_space<vmem>>[vector<16xi32>, vector<16xi32>], vector<16xf32>,
    %swap3A_86 = arith.constant 1 : i32
    %swap3A_87 = arith.index_cast %swap3A_86 : i32 to index
    %swap3A_88 = arith.constant 48 : index
    %swap3A_89 = tpu.vector_load %arg10[%swap3A_87, %swap3A_88] {strides = array<i32>} : memref<3x256xf32, #tpu.memory_space<vmem>>, vector<16xf32>,
    tpu.vector_store %arg10[%swap3A_87, %swap3A_88], %gather3A_85 {strides = array<i32>} : memref<3x256xf32, #tpu.memory_space<vmem>>, vector<16xf32>,
    %broadcast_in_dim3A_90 = arith.constant 2 : i32
    %broadcast_in_dim3A_91 = vector.broadcast %broadcast_in_dim3A_90 : i32 to vector<16xi32>
    %gather3A_92 = tpu.vector_load_idx %arg7[%broadcast_in_dim3A_91, %get3A_75] : memref<3x8192xf32, #tpu.memory_space<vmem>>[vector<16xi32>, vector<16xi32>], vector<16xf32>,
    %swap3A_93 = arith.constant 2 : i32
    %swap3A_94 = arith.index_cast %swap3A_93 : i32 to index
    %swap3A_95 = arith.constant 48 : index
    %swap3A_96 = tpu.vector_load %arg10[%swap3A_94, %swap3A_95] {strides = array<i32>} : memref<3x256xf32, #tpu.memory_space<vmem>>, vector<16xf32>,
    tpu.vector_store %arg10[%swap3A_94, %swap3A_95], %gather3A_92 {strides = array<i32>} : memref<3x256xf32, #tpu.memory_space<vmem>>, vector<16xf32>,
    %get3A_97 = arith.constant 0 : i32
    %get3A_98 = arith.index_cast %get3A_97 : i32 to index
    %get3A_99 = arith.constant 64 : index
    %get3A_100 = tpu.vector_load %arg8[%get3A_98, %get3A_99] {strides = array<i32>} : memref<2x128xi32, #tpu.memory_space<vmem>>, vector<16xi32>,
    %broadcast_in_dim3A_101 = arith.constant 0 : i32
    %broadcast_in_dim3A_102 = vector.broadcast %broadcast_in_dim3A_101 : i32 to vector<16xi32>
    %gather3A_103 = tpu.vector_load_idx %arg7[%broadcast_in_dim3A_102, %get3A_100] : memref<3x8192xf32, #tpu.memory_space<vmem>>[vector<16xi32>, vector<16xi32>], vector<16xf32>,
    %swap3A_104 = arith.constant 0 : i32
    %swap3A_105 = arith.index_cast %swap3A_104 : i32 to index
    %swap3A_106 = arith.constant 64 : index
    %swap3A_107 = tpu.vector_load %arg10[%swap3A_105, %swap3A_106] {strides = array<i32>} : memref<3x256xf32, #tpu.memory_space<vmem>>, vector<16xf32>,
    tpu.vector_store %arg10[%swap3A_105, %swap3A_106], %gather3A_103 {strides = array<i32>} : memref<3x256xf32, #tpu.memory_space<vmem>>, vector<16xf32>,
    %broadcast_in_dim3A_108 = arith.constant 1 : i32
    %broadcast_in_dim3A_109 = vector.broadcast %broadcast_in_dim3A_108 : i32 to vector<16xi32>
    %gather3A_110 = tpu.vector_load_idx %arg7[%broadcast_in_dim3A_109, %get3A_100] : memref<3x8192xf32, #tpu.memory_space<vmem>>[vector<16xi32>, vector<16xi32>], vector<16xf32>,
    %swap3A_111 = arith.constant 1 : i32
    %swap3A_112 = arith.index_cast %swap3A_111 : i32 to index
    %swap3A_113 = arith.constant 64 : index
    %swap3A_114 = tpu.vector_load %arg10[%swap3A_112, %swap3A_113] {strides = array<i32>} : memref<3x256xf32, #tpu.memory_space<vmem>>, vector<16xf32>,
    tpu.vector_store %arg10[%swap3A_112, %swap3A_113], %gather3A_110 {strides = array<i32>} : memref<3x256xf32, #tpu.memory_space<vmem>>, vector<16xf32>,
    %broadcast_in_dim3A_115 = arith.constant 2 : i32
    %broadcast_in_dim3A_116 = vector.broadcast %broadcast_in_dim3A_115 : i32 to vector<16xi32>
    %gather3A_117 = tpu.vector_load_idx %arg7[%broadcast_in_dim3A_116, %get3A_100] : memref<3x8192xf32, #tpu.memory_space<vmem>>[vector<16xi32>, vector<16xi32>], vector<16xf32>,
    %swap3A_118 = arith.constant 2 : i32
    %swap3A_119 = arith.index_cast %swap3A_118 : i32 to index
    %swap3A_120 = arith.constant 64 : index
    %swap3A_121 = tpu.vector_load %arg10[%swap3A_119, %swap3A_120] {strides = array<i32>} : memref<3x256xf32, #tpu.memory_space<vmem>>, vector<16xf32>,
    tpu.vector_store %arg10[%swap3A_119, %swap3A_120], %gather3A_117 {strides = array<i32>} : memref<3x256xf32, #tpu.memory_space<vmem>>, vector<16xf32>,
    %get3A_122 = arith.constant 0 : i32
    %get3A_123 = arith.index_cast %get3A_122 : i32 to index
    %get3A_124 = arith.constant 80 : index
    %get3A_125 = tpu.vector_load %arg8[%get3A_123, %get3A_124] {strides = array<i32>} : memref<2x128xi32, #tpu.memory_space<vmem>>, vector<16xi32>,
    %broadcast_in_dim3A_126 = arith.constant 0 : i32
    %broadcast_in_dim3A_127 = vector.broadcast %broadcast_in_dim3A_126 : i32 to vector<16xi32>
    %gather3A_128 = tpu.vector_load_idx %arg7[%broadcast_in_dim3A_127, %get3A_125] : memref<3x8192xf32, #tpu.memory_space<vmem>>[vector<16xi32>, vector<16xi32>], vector<16xf32>,
    %swap3A_129 = arith.constant 0 : i32
    %swap3A_130 = arith.index_cast %swap3A_129 : i32 to index
    %swap3A_131 = arith.constant 80 : index
    %swap3A_132 = tpu.vector_load %arg10[%swap3A_130, %swap3A_131] {strides = array<i32>} : memref<3x256xf32, #tpu.memory_space<vmem>>, vector<16xf32>,
    tpu.vector_store %arg10[%swap3A_130, %swap3A_131], %gather3A_128 {strides = array<i32>} : memref<3x256xf32, #tpu.memory_space<vmem>>, vector<16xf32>,
    %broadcast_in_dim3A_133 = arith.constant 1 : i32
    %broadcast_in_dim3A_134 = vector.broadcast %broadcast_in_dim3A_133 : i32 to vector<16xi32>
    %gather3A_135 = tpu.vector_load_idx %arg7[%broadcast_in_dim3A_134, %get3A_125] : memref<3x8192xf32, #tpu.memory_space<vmem>>[vector<16xi32>, vector<16xi32>], vector<16xf32>,
    %swap3A_136 = arith.constant 1 : i32
    %swap3A_137 = arith.index_cast %swap3A_136 : i32 to index
    %swap3A_138 = arith.constant 80 : index
    %swap3A_139 = tpu.vector_load %arg10[%swap3A_137, %swap3A_138] {strides = array<i32>} : memref<3x256xf32, #tpu.memory_space<vmem>>, vector<16xf32>,
    tpu.vector_store %arg10[%swap3A_137, %swap3A_138], %gather3A_135 {strides = array<i32>} : memref<3x256xf32, #tpu.memory_space<vmem>>, vector<16xf32>,
    %broadcast_in_dim3A_140 = arith.constant 2 : i32
    %broadcast_in_dim3A_141 = vector.broadcast %broadcast_in_dim3A_140 : i32 to vector<16xi32>
    %gather3A_142 = tpu.vector_load_idx %arg7[%broadcast_in_dim3A_141, %get3A_125] : memref<3x8192xf32, #tpu.memory_space<vmem>>[vector<16xi32>, vector<16xi32>], vector<16xf32>,
    %swap3A_143 = arith.constant 2 : i32
    %swap3A_144 = arith.index_cast %swap3A_143 : i32 to index
    %swap3A_145 = arith.constant 80 : index
    %swap3A_146 = tpu.vector_load %arg10[%swap3A_144, %swap3A_145] {strides = array<i32>} : memref<3x256xf32, #tpu.memory_space<vmem>>, vector<16xf32>,
    tpu.vector_store %arg10[%swap3A_144, %swap3A_145], %gather3A_142 {strides = array<i32>} : memref<3x256xf32, #tpu.memory_space<vmem>>, vector<16xf32>,
    %get3A_147 = arith.constant 0 : i32
    %get3A_148 = arith.index_cast %get3A_147 : i32 to index
    %get3A_149 = arith.constant 96 : index
    %get3A_150 = tpu.vector_load %arg8[%get3A_148, %get3A_149] {strides = array<i32>} : memref<2x128xi32, #tpu.memory_space<vmem>>, vector<16xi32>,
    %broadcast_in_dim3A_151 = arith.constant 0 : i32
    %broadcast_in_dim3A_152 = vector.broadcast %broadcast_in_dim3A_151 : i32 to vector<16xi32>
    %gather3A_153 = tpu.vector_load_idx %arg7[%broadcast_in_dim3A_152, %get3A_150] : memref<3x8192xf32, #tpu.memory_space<vmem>>[vector<16xi32>, vector<16xi32>], vector<16xf32>,
    %swap3A_154 = arith.constant 0 : i32
    %swap3A_155 = arith.index_cast %swap3A_154 : i32 to index
    %swap3A_156 = arith.constant 96 : index
    %swap3A_157 = tpu.vector_load %arg10[%swap3A_155, %swap3A_156] {strides = array<i32>} : memref<3x256xf32, #tpu.memory_space<vmem>>, vector<16xf32>,
    tpu.vector_store %arg10[%swap3A_155, %swap3A_156], %gather3A_153 {strides = array<i32>} : memref<3x256xf32, #tpu.memory_space<vmem>>, vector<16xf32>,
    %broadcast_in_dim3A_158 = arith.constant 1 : i32
    %broadcast_in_dim3A_159 = vector.broadcast %broadcast_in_dim3A_158 : i32 to vector<16xi32>
    %gather3A_160 = tpu.vector_load_idx %arg7[%broadcast_in_dim3A_159, %get3A_150] : memref<3x8192xf32, #tpu.memory_space<vmem>>[vector<16xi32>, vector<16xi32>], vector<16xf32>,
    %swap3A_161 = arith.constant 1 : i32
    %swap3A_162 = arith.index_cast %swap3A_161 : i32 to index
    %swap3A_163 = arith.constant 96 : index
    %swap3A_164 = tpu.vector_load %arg10[%swap3A_162, %swap3A_163] {strides = array<i32>} : memref<3x256xf32, #tpu.memory_space<vmem>>, vector<16xf32>,
    tpu.vector_store %arg10[%swap3A_162, %swap3A_163], %gather3A_160 {strides = array<i32>} : memref<3x256xf32, #tpu.memory_space<vmem>>, vector<16xf32>,
    %broadcast_in_dim3A_165 = arith.constant 2 : i32
    %broadcast_in_dim3A_166 = vector.broadcast %broadcast_in_dim3A_165 : i32 to vector<16xi32>
    %gather3A_167 = tpu.vector_load_idx %arg7[%broadcast_in_dim3A_166, %get3A_150] : memref<3x8192xf32, #tpu.memory_space<vmem>>[vector<16xi32>, vector<16xi32>], vector<16xf32>,
    %swap3A_168 = arith.constant 2 : i32
    %swap3A_169 = arith.index_cast %swap3A_168 : i32 to index
    %swap3A_170 = arith.constant 96 : index
    %swap3A_171 = tpu.vector_load %arg10[%swap3A_169, %swap3A_170] {strides = array<i32>} : memref<3x256xf32, #tpu.memory_space<vmem>>, vector<16xf32>,
    tpu.vector_store %arg10[%swap3A_169, %swap3A_170], %gather3A_167 {strides = array<i32>} : memref<3x256xf32, #tpu.memory_space<vmem>>, vector<16xf32>,
    %get3A_172 = arith.constant 0 : i32
    %get3A_173 = arith.index_cast %get3A_172 : i32 to index
    %get3A_174 = arith.constant 112 : index
    %get3A_175 = tpu.vector_load %arg8[%get3A_173, %get3A_174] {strides = array<i32>} : memref<2x128xi32, #tpu.memory_space<vmem>>, vector<16xi32>,
    %broadcast_in_dim3A_176 = arith.constant 0 : i32
    %broadcast_in_dim3A_177 = vector.broadcast %broadcast_in_dim3A_176 : i32 to vector<16xi32>
    %gather3A_178 = tpu.vector_load_idx %arg7[%broadcast_in_dim3A_177, %get3A_175] : memref<3x8192xf32, #tpu.memory_space<vmem>>[vector<16xi32>, vector<16xi32>], vector<16xf32>,
    %swap3A_179 = arith.constant 0 : i32
    %swap3A_180 = arith.index_cast %swap3A_179 : i32 to index
    %swap3A_181 = arith.constant 112 : index
    %swap3A_182 = tpu.vector_load %arg10[%swap3A_180, %swap3A_181] {strides = array<i32>} : memref<3x256xf32, #tpu.memory_space<vmem>>, vector<16xf32>,
    tpu.vector_store %arg10[%swap3A_180, %swap3A_181], %gather3A_178 {strides = array<i32>} : memref<3x256xf32, #tpu.memory_space<vmem>>, vector<16xf32>,
    %broadcast_in_dim3A_183 = arith.constant 1 : i32
    %broadcast_in_dim3A_184 = vector.broadcast %broadcast_in_dim3A_183 : i32 to vector<16xi32>
    %gather3A_185 = tpu.vector_load_idx %arg7[%broadcast_in_dim3A_184, %get3A_175] : memref<3x8192xf32, #tpu.memory_space<vmem>>[vector<16xi32>, vector<16xi32>], vector<16xf32>,
    %swap3A_186 = arith.constant 1 : i32
    %swap3A_187 = arith.index_cast %swap3A_186 : i32 to index
    %swap3A_188 = arith.constant 112 : index
    %swap3A_189 = tpu.vector_load %arg10[%swap3A_187, %swap3A_188] {strides = array<i32>} : memref<3x256xf32, #tpu.memory_space<vmem>>, vector<16xf32>,
    tpu.vector_store %arg10[%swap3A_187, %swap3A_188], %gather3A_185 {strides = array<i32>} : memref<3x256xf32, #tpu.memory_space<vmem>>, vector<16xf32>,
    %broadcast_in_dim3A_190 = arith.constant 2 : i32
    %broadcast_in_dim3A_191 = vector.broadcast %broadcast_in_dim3A_190 : i32 to vector<16xi32>
    %gather3A_192 = tpu.vector_load_idx %arg7[%broadcast_in_dim3A_191, %get3A_175] : memref<3x8192xf32, #tpu.memory_space<vmem>>[vector<16xi32>, vector<16xi32>], vector<16xf32>,
    %swap3A_193 = arith.constant 2 : i32
    %swap3A_194 = arith.index_cast %swap3A_193 : i32 to index
    %swap3A_195 = arith.constant 112 : index
    %swap3A_196 = tpu.vector_load %arg10[%swap3A_194, %swap3A_195] {strides = array<i32>} : memref<3x256xf32, #tpu.memory_space<vmem>>, vector<16xf32>,
    tpu.vector_store %arg10[%swap3A_194, %swap3A_195], %gather3A_192 {strides = array<i32>} : memref<3x256xf32, #tpu.memory_space<vmem>>, vector<16xf32>,
    %get3A_197 = arith.constant 1 : i32
    %get3A_198 = arith.index_cast %get3A_197 : i32 to index
    %get3A_199 = arith.constant 0 : index
    %get3A_200 = tpu.vector_load %arg8[%get3A_198, %get3A_199] {strides = array<i32>} : memref<2x128xi32, #tpu.memory_space<vmem>>, vector<16xi32>,
    %broadcast_in_dim3A_201 = arith.constant 0 : i32
    %broadcast_in_dim3A_202 = vector.broadcast %broadcast_in_dim3A_201 : i32 to vector<16xi32>
    %gather3A_203 = tpu.vector_load_idx %arg7[%broadcast_in_dim3A_202, %get3A_200] : memref<3x8192xf32, #tpu.memory_space<vmem>>[vector<16xi32>, vector<16xi32>], vector<16xf32>,
    %swap3A_204 = arith.constant 0 : i32
    %swap3A_205 = arith.index_cast %swap3A_204 : i32 to index
    %swap3A_206 = arith.constant 128 : index
    %swap3A_207 = tpu.vector_load %arg10[%swap3A_205, %swap3A_206] {strides = array<i32>} : memref<3x256xf32, #tpu.memory_space<vmem>>, vector<16xf32>,
    tpu.vector_store %arg10[%swap3A_205, %swap3A_206], %gather3A_203 {strides = array<i32>} : memref<3x256xf32, #tpu.memory_space<vmem>>, vector<16xf32>,
    %broadcast_in_dim3A_208 = arith.constant 1 : i32
    %broadcast_in_dim3A_209 = vector.broadcast %broadcast_in_dim3A_208 : i32 to vector<16xi32>
    %gather3A_210 = tpu.vector_load_idx %arg7[%broadcast_in_dim3A_209, %get3A_200] : memref<3x8192xf32, #tpu.memory_space<vmem>>[vector<16xi32>, vector<16xi32>], vector<16xf32>,
    %swap3A_211 = arith.constant 1 : i32
    %swap3A_212 = arith.index_cast %swap3A_211 : i32 to index
    %swap3A_213 = arith.constant 128 : index
    %swap3A_214 = tpu.vector_load %arg10[%swap3A_212, %swap3A_213] {strides = array<i32>} : memref<3x256xf32, #tpu.memory_space<vmem>>, vector<16xf32>,
    tpu.vector_store %arg10[%swap3A_212, %swap3A_213], %gather3A_210 {strides = array<i32>} : memref<3x256xf32, #tpu.memory_space<vmem>>, vector<16xf32>,
    %broadcast_in_dim3A_215 = arith.constant 2 : i32
    %broadcast_in_dim3A_216 = vector.broadcast %broadcast_in_dim3A_215 : i32 to vector<16xi32>
    %gather3A_217 = tpu.vector_load_idx %arg7[%broadcast_in_dim3A_216, %get3A_200] : memref<3x8192xf32, #tpu.memory_space<vmem>>[vector<16xi32>, vector<16xi32>], vector<16xf32>,
    %swap3A_218 = arith.constant 2 : i32
    %swap3A_219 = arith.index_cast %swap3A_218 : i32 to index
    %swap3A_220 = arith.constant 128 : index
    %swap3A_221 = tpu.vector_load %arg10[%swap3A_219, %swap3A_220] {strides = array<i32>} : memref<3x256xf32, #tpu.memory_space<vmem>>, vector<16xf32>,
    tpu.vector_store %arg10[%swap3A_219, %swap3A_220], %gather3A_217 {strides = array<i32>} : memref<3x256xf32, #tpu.memory_space<vmem>>, vector<16xf32>,
    %get3A_222 = arith.constant 1 : i32
    %get3A_223 = arith.index_cast %get3A_222 : i32 to index
    %get3A_224 = arith.constant 16 : index
    %get3A_225 = tpu.vector_load %arg8[%get3A_223, %get3A_224] {strides = array<i32>} : memref<2x128xi32, #tpu.memory_space<vmem>>, vector<16xi32>,
    %broadcast_in_dim3A_226 = arith.constant 0 : i32
    %broadcast_in_dim3A_227 = vector.broadcast %broadcast_in_dim3A_226 : i32 to vector<16xi32>
    %gather3A_228 = tpu.vector_load_idx %arg7[%broadcast_in_dim3A_227, %get3A_225] : memref<3x8192xf32, #tpu.memory_space<vmem>>[vector<16xi32>, vector<16xi32>], vector<16xf32>,
    %swap3A_229 = arith.constant 0 : i32
    %swap3A_230 = arith.index_cast %swap3A_229 : i32 to index
    %swap3A_231 = arith.constant 144 : index
    %swap3A_232 = tpu.vector_load %arg10[%swap3A_230, %swap3A_231] {strides = array<i32>} : memref<3x256xf32, #tpu.memory_space<vmem>>, vector<16xf32>,
    tpu.vector_store %arg10[%swap3A_230, %swap3A_231], %gather3A_228 {strides = array<i32>} : memref<3x256xf32, #tpu.memory_space<vmem>>, vector<16xf32>,
    %broadcast_in_dim3A_233 = arith.constant 1 : i32
    %broadcast_in_dim3A_234 = vector.broadcast %broadcast_in_dim3A_233 : i32 to vector<16xi32>
    %gather3A_235 = tpu.vector_load_idx %arg7[%broadcast_in_dim3A_234, %get3A_225] : memref<3x8192xf32, #tpu.memory_space<vmem>>[vector<16xi32>, vector<16xi32>], vector<16xf32>,
    %swap3A_236 = arith.constant 1 : i32
    %swap3A_237 = arith.index_cast %swap3A_236 : i32 to index
    %swap3A_238 = arith.constant 144 : index
    %swap3A_239 = tpu.vector_load %arg10[%swap3A_237, %swap3A_238] {strides = array<i32>} : memref<3x256xf32, #tpu.memory_space<vmem>>, vector<16xf32>,
    tpu.vector_store %arg10[%swap3A_237, %swap3A_238], %gather3A_235 {strides = array<i32>} : memref<3x256xf32, #tpu.memory_space<vmem>>, vector<16xf32>,
    %broadcast_in_dim3A_240 = arith.constant 2 : i32
    %broadcast_in_dim3A_241 = vector.broadcast %broadcast_in_dim3A_240 : i32 to vector<16xi32>
    %gather3A_242 = tpu.vector_load_idx %arg7[%broadcast_in_dim3A_241, %get3A_225] : memref<3x8192xf32, #tpu.memory_space<vmem>>[vector<16xi32>, vector<16xi32>], vector<16xf32>,
    %swap3A_243 = arith.constant 2 : i32
    %swap3A_244 = arith.index_cast %swap3A_243 : i32 to index
    %swap3A_245 = arith.constant 144 : index
    %swap3A_246 = tpu.vector_load %arg10[%swap3A_244, %swap3A_245] {strides = array<i32>} : memref<3x256xf32, #tpu.memory_space<vmem>>, vector<16xf32>,
    tpu.vector_store %arg10[%swap3A_244, %swap3A_245], %gather3A_242 {strides = array<i32>} : memref<3x256xf32, #tpu.memory_space<vmem>>, vector<16xf32>,
    %get3A_247 = arith.constant 1 : i32
    %get3A_248 = arith.index_cast %get3A_247 : i32 to index
    %get3A_249 = arith.constant 32 : index
    %get3A_250 = tpu.vector_load %arg8[%get3A_248, %get3A_249] {strides = array<i32>} : memref<2x128xi32, #tpu.memory_space<vmem>>, vector<16xi32>,
    %broadcast_in_dim3A_251 = arith.constant 0 : i32
    %broadcast_in_dim3A_252 = vector.broadcast %broadcast_in_dim3A_251 : i32 to vector<16xi32>
    %gather3A_253 = tpu.vector_load_idx %arg7[%broadcast_in_dim3A_252, %get3A_250] : memref<3x8192xf32, #tpu.memory_space<vmem>>[vector<16xi32>, vector<16xi32>], vector<16xf32>,
    %swap3A_254 = arith.constant 0 : i32
    %swap3A_255 = arith.index_cast %swap3A_254 : i32 to index
    %swap3A_256 = arith.constant 160 : index
    %swap3A_257 = tpu.vector_load %arg10[%swap3A_255, %swap3A_256] {strides = array<i32>} : memref<3x256xf32, #tpu.memory_space<vmem>>, vector<16xf32>,
    tpu.vector_store %arg10[%swap3A_255, %swap3A_256], %gather3A_253 {strides = array<i32>} : memref<3x256xf32, #tpu.memory_space<vmem>>, vector<16xf32>,
    %broadcast_in_dim3A_258 = arith.constant 1 : i32
    %broadcast_in_dim3A_259 = vector.broadcast %broadcast_in_dim3A_258 : i32 to vector<16xi32>
    %gather3A_260 = tpu.vector_load_idx %arg7[%broadcast_in_dim3A_259, %get3A_250] : memref<3x8192xf32, #tpu.memory_space<vmem>>[vector<16xi32>, vector<16xi32>], vector<16xf32>,
    %swap3A_261 = arith.constant 1 : i32
    %swap3A_262 = arith.index_cast %swap3A_261 : i32 to index
    %swap3A_263 = arith.constant 160 : index
    %swap3A_264 = tpu.vector_load %arg10[%swap3A_262, %swap3A_263] {strides = array<i32>} : memref<3x256xf32, #tpu.memory_space<vmem>>, vector<16xf32>,
    tpu.vector_store %arg10[%swap3A_262, %swap3A_263], %gather3A_260 {strides = array<i32>} : memref<3x256xf32, #tpu.memory_space<vmem>>, vector<16xf32>,
    %broadcast_in_dim3A_265 = arith.constant 2 : i32
    %broadcast_in_dim3A_266 = vector.broadcast %broadcast_in_dim3A_265 : i32 to vector<16xi32>
    %gather3A_267 = tpu.vector_load_idx %arg7[%broadcast_in_dim3A_266, %get3A_250] : memref<3x8192xf32, #tpu.memory_space<vmem>>[vector<16xi32>, vector<16xi32>], vector<16xf32>,
    %swap3A_268 = arith.constant 2 : i32
    %swap3A_269 = arith.index_cast %swap3A_268 : i32 to index
    %swap3A_270 = arith.constant 160 : index
    %swap3A_271 = tpu.vector_load %arg10[%swap3A_269, %swap3A_270] {strides = array<i32>} : memref<3x256xf32, #tpu.memory_space<vmem>>, vector<16xf32>,
    tpu.vector_store %arg10[%swap3A_269, %swap3A_270], %gather3A_267 {strides = array<i32>} : memref<3x256xf32, #tpu.memory_space<vmem>>, vector<16xf32>,
    %get3A_272 = arith.constant 1 : i32
    %get3A_273 = arith.index_cast %get3A_272 : i32 to index
    %get3A_274 = arith.constant 48 : index
    %get3A_275 = tpu.vector_load %arg8[%get3A_273, %get3A_274] {strides = array<i32>} : memref<2x128xi32, #tpu.memory_space<vmem>>, vector<16xi32>,
    %broadcast_in_dim3A_276 = arith.constant 0 : i32
    %broadcast_in_dim3A_277 = vector.broadcast %broadcast_in_dim3A_276 : i32 to vector<16xi32>
    %gather3A_278 = tpu.vector_load_idx %arg7[%broadcast_in_dim3A_277, %get3A_275] : memref<3x8192xf32, #tpu.memory_space<vmem>>[vector<16xi32>, vector<16xi32>], vector<16xf32>,
    %swap3A_279 = arith.constant 0 : i32
    %swap3A_280 = arith.index_cast %swap3A_279 : i32 to index
    %swap3A_281 = arith.constant 176 : index
    %swap3A_282 = tpu.vector_load %arg10[%swap3A_280, %swap3A_281] {strides = array<i32>} : memref<3x256xf32, #tpu.memory_space<vmem>>, vector<16xf32>,
    tpu.vector_store %arg10[%swap3A_280, %swap3A_281], %gather3A_278 {strides = array<i32>} : memref<3x256xf32, #tpu.memory_space<vmem>>, vector<16xf32>,
    %broadcast_in_dim3A_283 = arith.constant 1 : i32
    %broadcast_in_dim3A_284 = vector.broadcast %broadcast_in_dim3A_283 : i32 to vector<16xi32>
    %gather3A_285 = tpu.vector_load_idx %arg7[%broadcast_in_dim3A_284, %get3A_275] : memref<3x8192xf32, #tpu.memory_space<vmem>>[vector<16xi32>, vector<16xi32>], vector<16xf32>,
    %swap3A_286 = arith.constant 1 : i32
    %swap3A_287 = arith.index_cast %swap3A_286 : i32 to index
    %swap3A_288 = arith.constant 176 : index
    %swap3A_289 = tpu.vector_load %arg10[%swap3A_287, %swap3A_288] {strides = array<i32>} : memref<3x256xf32, #tpu.memory_space<vmem>>, vector<16xf32>,
    tpu.vector_store %arg10[%swap3A_287, %swap3A_288], %gather3A_285 {strides = array<i32>} : memref<3x256xf32, #tpu.memory_space<vmem>>, vector<16xf32>,
    %broadcast_in_dim3A_290 = arith.constant 2 : i32
    %broadcast_in_dim3A_291 = vector.broadcast %broadcast_in_dim3A_290 : i32 to vector<16xi32>
    %gather3A_292 = tpu.vector_load_idx %arg7[%broadcast_in_dim3A_291, %get3A_275] : memref<3x8192xf32, #tpu.memory_space<vmem>>[vector<16xi32>, vector<16xi32>], vector<16xf32>,
    %swap3A_293 = arith.constant 2 : i32
    %swap3A_294 = arith.index_cast %swap3A_293 : i32 to index
    %swap3A_295 = arith.constant 176 : index
    %swap3A_296 = tpu.vector_load %arg10[%swap3A_294, %swap3A_295] {strides = array<i32>} : memref<3x256xf32, #tpu.memory_space<vmem>>, vector<16xf32>,
    tpu.vector_store %arg10[%swap3A_294, %swap3A_295], %gather3A_292 {strides = array<i32>} : memref<3x256xf32, #tpu.memory_space<vmem>>, vector<16xf32>,
    %get3A_297 = arith.constant 1 : i32
    %get3A_298 = arith.index_cast %get3A_297 : i32 to index
    %get3A_299 = arith.constant 64 : index
    %get3A_300 = tpu.vector_load %arg8[%get3A_298, %get3A_299] {strides = array<i32>} : memref<2x128xi32, #tpu.memory_space<vmem>>, vector<16xi32>,
    %broadcast_in_dim3A_301 = arith.constant 0 : i32
    %broadcast_in_dim3A_302 = vector.broadcast %broadcast_in_dim3A_301 : i32 to vector<16xi32>
    %gather3A_303 = tpu.vector_load_idx %arg7[%broadcast_in_dim3A_302, %get3A_300] : memref<3x8192xf32, #tpu.memory_space<vmem>>[vector<16xi32>, vector<16xi32>], vector<16xf32>,
    %swap3A_304 = arith.constant 0 : i32
    %swap3A_305 = arith.index_cast %swap3A_304 : i32 to index
    %swap3A_306 = arith.constant 192 : index
    %swap3A_307 = tpu.vector_load %arg10[%swap3A_305, %swap3A_306] {strides = array<i32>} : memref<3x256xf32, #tpu.memory_space<vmem>>, vector<16xf32>,
    tpu.vector_store %arg10[%swap3A_305, %swap3A_306], %gather3A_303 {strides = array<i32>} : memref<3x256xf32, #tpu.memory_space<vmem>>, vector<16xf32>,
    %broadcast_in_dim3A_308 = arith.constant 1 : i32
    %broadcast_in_dim3A_309 = vector.broadcast %broadcast_in_dim3A_308 : i32 to vector<16xi32>
    %gather3A_310 = tpu.vector_load_idx %arg7[%broadcast_in_dim3A_309, %get3A_300] : memref<3x8192xf32, #tpu.memory_space<vmem>>[vector<16xi32>, vector<16xi32>], vector<16xf32>,
    %swap3A_311 = arith.constant 1 : i32
    %swap3A_312 = arith.index_cast %swap3A_311 : i32 to index
    %swap3A_313 = arith.constant 192 : index
    %swap3A_314 = tpu.vector_load %arg10[%swap3A_312, %swap3A_313] {strides = array<i32>} : memref<3x256xf32, #tpu.memory_space<vmem>>, vector<16xf32>,
    tpu.vector_store %arg10[%swap3A_312, %swap3A_313], %gather3A_310 {strides = array<i32>} : memref<3x256xf32, #tpu.memory_space<vmem>>, vector<16xf32>,
    %broadcast_in_dim3A_315 = arith.constant 2 : i32
    %broadcast_in_dim3A_316 = vector.broadcast %broadcast_in_dim3A_315 : i32 to vector<16xi32>
    %gather3A_317 = tpu.vector_load_idx %arg7[%broadcast_in_dim3A_316, %get3A_300] : memref<3x8192xf32, #tpu.memory_space<vmem>>[vector<16xi32>, vector<16xi32>], vector<16xf32>,
    %swap3A_318 = arith.constant 2 : i32
    %swap3A_319 = arith.index_cast %swap3A_318 : i32 to index
    %swap3A_320 = arith.constant 192 : index
    %swap3A_321 = tpu.vector_load %arg10[%swap3A_319, %swap3A_320] {strides = array<i32>} : memref<3x256xf32, #tpu.memory_space<vmem>>, vector<16xf32>,
    tpu.vector_store %arg10[%swap3A_319, %swap3A_320], %gather3A_317 {strides = array<i32>} : memref<3x256xf32, #tpu.memory_space<vmem>>, vector<16xf32>,
    %get3A_322 = arith.constant 1 : i32
    %get3A_323 = arith.index_cast %get3A_322 : i32 to index
    %get3A_324 = arith.constant 80 : index
    %get3A_325 = tpu.vector_load %arg8[%get3A_323, %get3A_324] {strides = array<i32>} : memref<2x128xi32, #tpu.memory_space<vmem>>, vector<16xi32>,
    %broadcast_in_dim3A_326 = arith.constant 0 : i32
    %broadcast_in_dim3A_327 = vector.broadcast %broadcast_in_dim3A_326 : i32 to vector<16xi32>
    %gather3A_328 = tpu.vector_load_idx %arg7[%broadcast_in_dim3A_327, %get3A_325] : memref<3x8192xf32, #tpu.memory_space<vmem>>[vector<16xi32>, vector<16xi32>], vector<16xf32>,
    %swap3A_329 = arith.constant 0 : i32
    %swap3A_330 = arith.index_cast %swap3A_329 : i32 to index
    %swap3A_331 = arith.constant 208 : index
    %swap3A_332 = tpu.vector_load %arg10[%swap3A_330, %swap3A_331] {strides = array<i32>} : memref<3x256xf32, #tpu.memory_space<vmem>>, vector<16xf32>,
    tpu.vector_store %arg10[%swap3A_330, %swap3A_331], %gather3A_328 {strides = array<i32>} : memref<3x256xf32, #tpu.memory_space<vmem>>, vector<16xf32>,
    %broadcast_in_dim3A_333 = arith.constant 1 : i32
    %broadcast_in_dim3A_334 = vector.broadcast %broadcast_in_dim3A_333 : i32 to vector<16xi32>
    %gather3A_335 = tpu.vector_load_idx %arg7[%broadcast_in_dim3A_334, %get3A_325] : memref<3x8192xf32, #tpu.memory_space<vmem>>[vector<16xi32>, vector<16xi32>], vector<16xf32>,
    %swap3A_336 = arith.constant 1 : i32
    %swap3A_337 = arith.index_cast %swap3A_336 : i32 to index
    %swap3A_338 = arith.constant 208 : index
    %swap3A_339 = tpu.vector_load %arg10[%swap3A_337, %swap3A_338] {strides = array<i32>} : memref<3x256xf32, #tpu.memory_space<vmem>>, vector<16xf32>,
    tpu.vector_store %arg10[%swap3A_337, %swap3A_338], %gather3A_335 {strides = array<i32>} : memref<3x256xf32, #tpu.memory_space<vmem>>, vector<16xf32>,
    %broadcast_in_dim3A_340 = arith.constant 2 : i32
    %broadcast_in_dim3A_341 = vector.broadcast %broadcast_in_dim3A_340 : i32 to vector<16xi32>
    %gather3A_342 = tpu.vector_load_idx %arg7[%broadcast_in_dim3A_341, %get3A_325] : memref<3x8192xf32, #tpu.memory_space<vmem>>[vector<16xi32>, vector<16xi32>], vector<16xf32>,
    %swap3A_343 = arith.constant 2 : i32
    %swap3A_344 = arith.index_cast %swap3A_343 : i32 to index
    %swap3A_345 = arith.constant 208 : index
    %swap3A_346 = tpu.vector_load %arg10[%swap3A_344, %swap3A_345] {strides = array<i32>} : memref<3x256xf32, #tpu.memory_space<vmem>>, vector<16xf32>,
    tpu.vector_store %arg10[%swap3A_344, %swap3A_345], %gather3A_342 {strides = array<i32>} : memref<3x256xf32, #tpu.memory_space<vmem>>, vector<16xf32>,
    %get3A_347 = arith.constant 1 : i32
    %get3A_348 = arith.index_cast %get3A_347 : i32 to index
    %get3A_349 = arith.constant 96 : index
    %get3A_350 = tpu.vector_load %arg8[%get3A_348, %get3A_349] {strides = array<i32>} : memref<2x128xi32, #tpu.memory_space<vmem>>, vector<16xi32>,
    %broadcast_in_dim3A_351 = arith.constant 0 : i32
    %broadcast_in_dim3A_352 = vector.broadcast %broadcast_in_dim3A_351 : i32 to vector<16xi32>
    %gather3A_353 = tpu.vector_load_idx %arg7[%broadcast_in_dim3A_352, %get3A_350] : memref<3x8192xf32, #tpu.memory_space<vmem>>[vector<16xi32>, vector<16xi32>], vector<16xf32>,
    %swap3A_354 = arith.constant 0 : i32
    %swap3A_355 = arith.index_cast %swap3A_354 : i32 to index
    %swap3A_356 = arith.constant 224 : index
    %swap3A_357 = tpu.vector_load %arg10[%swap3A_355, %swap3A_356] {strides = array<i32>} : memref<3x256xf32, #tpu.memory_space<vmem>>, vector<16xf32>,
    tpu.vector_store %arg10[%swap3A_355, %swap3A_356], %gather3A_353 {strides = array<i32>} : memref<3x256xf32, #tpu.memory_space<vmem>>, vector<16xf32>,
    %broadcast_in_dim3A_358 = arith.constant 1 : i32
    %broadcast_in_dim3A_359 = vector.broadcast %broadcast_in_dim3A_358 : i32 to vector<16xi32>
    %gather3A_360 = tpu.vector_load_idx %arg7[%broadcast_in_dim3A_359, %get3A_350] : memref<3x8192xf32, #tpu.memory_space<vmem>>[vector<16xi32>, vector<16xi32>], vector<16xf32>,
    %swap3A_361 = arith.constant 1 : i32
    %swap3A_362 = arith.index_cast %swap3A_361 : i32 to index
    %swap3A_363 = arith.constant 224 : index
    %swap3A_364 = tpu.vector_load %arg10[%swap3A_362, %swap3A_363] {strides = array<i32>} : memref<3x256xf32, #tpu.memory_space<vmem>>, vector<16xf32>,
    tpu.vector_store %arg10[%swap3A_362, %swap3A_363], %gather3A_360 {strides = array<i32>} : memref<3x256xf32, #tpu.memory_space<vmem>>, vector<16xf32>,
    %broadcast_in_dim3A_365 = arith.constant 2 : i32
    %broadcast_in_dim3A_366 = vector.broadcast %broadcast_in_dim3A_365 : i32 to vector<16xi32>
    %gather3A_367 = tpu.vector_load_idx %arg7[%broadcast_in_dim3A_366, %get3A_350] : memref<3x8192xf32, #tpu.memory_space<vmem>>[vector<16xi32>, vector<16xi32>], vector<16xf32>,
    %swap3A_368 = arith.constant 2 : i32
    %swap3A_369 = arith.index_cast %swap3A_368 : i32 to index
    %swap3A_370 = arith.constant 224 : index
    %swap3A_371 = tpu.vector_load %arg10[%swap3A_369, %swap3A_370] {strides = array<i32>} : memref<3x256xf32, #tpu.memory_space<vmem>>, vector<16xf32>,
    tpu.vector_store %arg10[%swap3A_369, %swap3A_370], %gather3A_367 {strides = array<i32>} : memref<3x256xf32, #tpu.memory_space<vmem>>, vector<16xf32>,
    %get3A_372 = arith.constant 1 : i32
    %get3A_373 = arith.index_cast %get3A_372 : i32 to index
    %get3A_374 = arith.constant 112 : index
    %get3A_375 = tpu.vector_load %arg8[%get3A_373, %get3A_374] {strides = array<i32>} : memref<2x128xi32, #tpu.memory_space<vmem>>, vector<16xi32>,
    %broadcast_in_dim3A_376 = arith.constant 0 : i32
    %broadcast_in_dim3A_377 = vector.broadcast %broadcast_in_dim3A_376 : i32 to vector<16xi32>
    %gather3A_378 = tpu.vector_load_idx %arg7[%broadcast_in_dim3A_377, %get3A_375] : memref<3x8192xf32, #tpu.memory_space<vmem>>[vector<16xi32>, vector<16xi32>], vector<16xf32>,
    %swap3A_379 = arith.constant 0 : i32
    %swap3A_380 = arith.index_cast %swap3A_379 : i32 to index
    %swap3A_381 = arith.constant 240 : index
    %swap3A_382 = tpu.vector_load %arg10[%swap3A_380, %swap3A_381] {strides = array<i32>} : memref<3x256xf32, #tpu.memory_space<vmem>>, vector<16xf32>,
    tpu.vector_store %arg10[%swap3A_380, %swap3A_381], %gather3A_378 {strides = array<i32>} : memref<3x256xf32, #tpu.memory_space<vmem>>, vector<16xf32>,
    %broadcast_in_dim3A_383 = arith.constant 1 : i32
    %broadcast_in_dim3A_384 = vector.broadcast %broadcast_in_dim3A_383 : i32 to vector<16xi32>
    %gather3A_385 = tpu.vector_load_idx %arg7[%broadcast_in_dim3A_384, %get3A_375] : memref<3x8192xf32, #tpu.memory_space<vmem>>[vector<16xi32>, vector<16xi32>], vector<16xf32>,
    %swap3A_386 = arith.constant 1 : i32
    %swap3A_387 = arith.index_cast %swap3A_386 : i32 to index
    %swap3A_388 = arith.constant 240 : index
    %swap3A_389 = tpu.vector_load %arg10[%swap3A_387, %swap3A_388] {strides = array<i32>} : memref<3x256xf32, #tpu.memory_space<vmem>>, vector<16xf32>,
    tpu.vector_store %arg10[%swap3A_387, %swap3A_388], %gather3A_385 {strides = array<i32>} : memref<3x256xf32, #tpu.memory_space<vmem>>, vector<16xf32>,
    %broadcast_in_dim3A_390 = arith.constant 2 : i32
    %broadcast_in_dim3A_391 = vector.broadcast %broadcast_in_dim3A_390 : i32 to vector<16xi32>
    %gather3A_392 = tpu.vector_load_idx %arg7[%broadcast_in_dim3A_391, %get3A_375] : memref<3x8192xf32, #tpu.memory_space<vmem>>[vector<16xi32>, vector<16xi32>], vector<16xf32>,
    %swap3A_393 = arith.constant 2 : i32
    %swap3A_394 = arith.index_cast %swap3A_393 : i32 to index
    %swap3A_395 = arith.constant 240 : index
    %swap3A_396 = tpu.vector_load %arg10[%swap3A_394, %swap3A_395] {strides = array<i32>} : memref<3x256xf32, #tpu.memory_space<vmem>>, vector<16xf32>,
    tpu.vector_store %arg10[%swap3A_394, %swap3A_395], %gather3A_392 {strides = array<i32>} : memref<3x256xf32, #tpu.memory_space<vmem>>, vector<16xf32>,
    %get3A_397 = arith.constant 0 : i32
    %get3A_398 = arith.index_cast %get3A_397 : i32 to index
    %get3A_399 = arith.constant 0 : index
    %get3A_400 = tpu.vector_load %arg9[%get3A_398, %get3A_399] {strides = array<i32>} : memref<2x128xi32, #tpu.memory_space<vmem>>, vector<16xi32>,
    %broadcast_in_dim3A_401 = arith.constant 0 : i32
    %broadcast_in_dim3A_402 = vector.broadcast %broadcast_in_dim3A_401 : i32 to vector<16xi32>
    %gather3A_403 = tpu.vector_load_idx %arg7[%broadcast_in_dim3A_402, %get3A_400] : memref<3x8192xf32, #tpu.memory_space<vmem>>[vector<16xi32>, vector<16xi32>], vector<16xf32>,
    %swap3A_404 = arith.constant 0 : i32
    %swap3A_405 = arith.index_cast %swap3A_404 : i32 to index
    %swap3A_406 = arith.constant 0 : index
    %swap3A_407 = tpu.vector_load %arg11[%swap3A_405, %swap3A_406] {strides = array<i32>} : memref<3x256xf32, #tpu.memory_space<vmem>>, vector<16xf32>,
    tpu.vector_store %arg11[%swap3A_405, %swap3A_406], %gather3A_403 {strides = array<i32>} : memref<3x256xf32, #tpu.memory_space<vmem>>, vector<16xf32>,
    %broadcast_in_dim3A_408 = arith.constant 1 : i32
    %broadcast_in_dim3A_409 = vector.broadcast %broadcast_in_dim3A_408 : i32 to vector<16xi32>
    %gather3A_410 = tpu.vector_load_idx %arg7[%broadcast_in_dim3A_409, %get3A_400] : memref<3x8192xf32, #tpu.memory_space<vmem>>[vector<16xi32>, vector<16xi32>], vector<16xf32>,
    %swap3A_411 = arith.constant 1 : i32
    %swap3A_412 = arith.index_cast %swap3A_411 : i32 to index
    %swap3A_413 = arith.constant 0 : index
    %swap3A_414 = tpu.vector_load %arg11[%swap3A_412, %swap3A_413] {strides = array<i32>} : memref<3x256xf32, #tpu.memory_space<vmem>>, vector<16xf32>,
    tpu.vector_store %arg11[%swap3A_412, %swap3A_413], %gather3A_410 {strides = array<i32>} : memref<3x256xf32, #tpu.memory_space<vmem>>, vector<16xf32>,
    %broadcast_in_dim3A_415 = arith.constant 2 : i32
    %broadcast_in_dim3A_416 = vector.broadcast %broadcast_in_dim3A_415 : i32 to vector<16xi32>
    %gather3A_417 = tpu.vector_load_idx %arg7[%broadcast_in_dim3A_416, %get3A_400] : memref<3x8192xf32, #tpu.memory_space<vmem>>[vector<16xi32>, vector<16xi32>], vector<16xf32>,
    %swap3A_418 = arith.constant 2 : i32
    %swap3A_419 = arith.index_cast %swap3A_418 : i32 to index
    %swap3A_420 = arith.constant 0 : index
    %swap3A_421 = tpu.vector_load %arg11[%swap3A_419, %swap3A_420] {strides = array<i32>} : memref<3x256xf32, #tpu.memory_space<vmem>>, vector<16xf32>,
    tpu.vector_store %arg11[%swap3A_419, %swap3A_420], %gather3A_417 {strides = array<i32>} : memref<3x256xf32, #tpu.memory_space<vmem>>, vector<16xf32>,
    %get3A_422 = arith.constant 0 : i32
    %get3A_423 = arith.index_cast %get3A_422 : i32 to index
    %get3A_424 = arith.constant 16 : index
    %get3A_425 = tpu.vector_load %arg9[%get3A_423, %get3A_424] {strides = array<i32>} : memref<2x128xi32, #tpu.memory_space<vmem>>, vector<16xi32>,
    %broadcast_in_dim3A_426 = arith.constant 0 : i32
    %broadcast_in_dim3A_427 = vector.broadcast %broadcast_in_dim3A_426 : i32 to vector<16xi32>
    %gather3A_428 = tpu.vector_load_idx %arg7[%broadcast_in_dim3A_427, %get3A_425] : memref<3x8192xf32, #tpu.memory_space<vmem>>[vector<16xi32>, vector<16xi32>], vector<16xf32>,
    %swap3A_429 = arith.constant 0 : i32
    %swap3A_430 = arith.index_cast %swap3A_429 : i32 to index
    %swap3A_431 = arith.constant 16 : index
    %swap3A_432 = tpu.vector_load %arg11[%swap3A_430, %swap3A_431] {strides = array<i32>} : memref<3x256xf32, #tpu.memory_space<vmem>>, vector<16xf32>,
    tpu.vector_store %arg11[%swap3A_430, %swap3A_431], %gather3A_428 {strides = array<i32>} : memref<3x256xf32, #tpu.memory_space<vmem>>, vector<16xf32>,
    %broadcast_in_dim3A_433 = arith.constant 1 : i32
    %broadcast_in_dim3A_434 = vector.broadcast %broadcast_in_dim3A_433 : i32 to vector<16xi32>
    %gather3A_435 = tpu.vector_load_idx %arg7[%broadcast_in_dim3A_434, %get3A_425] : memref<3x8192xf32, #tpu.memory_space<vmem>>[vector<16xi32>, vector<16xi32>], vector<16xf32>,
    %swap3A_436 = arith.constant 1 : i32
    %swap3A_437 = arith.index_cast %swap3A_436 : i32 to index
    %swap3A_438 = arith.constant 16 : index
    %swap3A_439 = tpu.vector_load %arg11[%swap3A_437, %swap3A_438] {strides = array<i32>} : memref<3x256xf32, #tpu.memory_space<vmem>>, vector<16xf32>,
    tpu.vector_store %arg11[%swap3A_437, %swap3A_438], %gather3A_435 {strides = array<i32>} : memref<3x256xf32, #tpu.memory_space<vmem>>, vector<16xf32>,
    %broadcast_in_dim3A_440 = arith.constant 2 : i32
    %broadcast_in_dim3A_441 = vector.broadcast %broadcast_in_dim3A_440 : i32 to vector<16xi32>
    %gather3A_442 = tpu.vector_load_idx %arg7[%broadcast_in_dim3A_441, %get3A_425] : memref<3x8192xf32, #tpu.memory_space<vmem>>[vector<16xi32>, vector<16xi32>], vector<16xf32>,
    %swap3A_443 = arith.constant 2 : i32
    %swap3A_444 = arith.index_cast %swap3A_443 : i32 to index
    %swap3A_445 = arith.constant 16 : index
    %swap3A_446 = tpu.vector_load %arg11[%swap3A_444, %swap3A_445] {strides = array<i32>} : memref<3x256xf32, #tpu.memory_space<vmem>>, vector<16xf32>,
    tpu.vector_store %arg11[%swap3A_444, %swap3A_445], %gather3A_442 {strides = array<i32>} : memref<3x256xf32, #tpu.memory_space<vmem>>, vector<16xf32>,
    %get3A_447 = arith.constant 0 : i32
    %get3A_448 = arith.index_cast %get3A_447 : i32 to index
    %get3A_449 = arith.constant 32 : index
    %get3A_450 = tpu.vector_load %arg9[%get3A_448, %get3A_449] {strides = array<i32>} : memref<2x128xi32, #tpu.memory_space<vmem>>, vector<16xi32>,
    %broadcast_in_dim3A_451 = arith.constant 0 : i32
    %broadcast_in_dim3A_452 = vector.broadcast %broadcast_in_dim3A_451 : i32 to vector<16xi32>
    %gather3A_453 = tpu.vector_load_idx %arg7[%broadcast_in_dim3A_452, %get3A_450] : memref<3x8192xf32, #tpu.memory_space<vmem>>[vector<16xi32>, vector<16xi32>], vector<16xf32>,
    %swap3A_454 = arith.constant 0 : i32
    %swap3A_455 = arith.index_cast %swap3A_454 : i32 to index
    %swap3A_456 = arith.constant 32 : index
    %swap3A_457 = tpu.vector_load %arg11[%swap3A_455, %swap3A_456] {strides = array<i32>} : memref<3x256xf32, #tpu.memory_space<vmem>>, vector<16xf32>,
    tpu.vector_store %arg11[%swap3A_455, %swap3A_456], %gather3A_453 {strides = array<i32>} : memref<3x256xf32, #tpu.memory_space<vmem>>, vector<16xf32>,
    %broadcast_in_dim3A_458 = arith.constant 1 : i32
    %broadcast_in_dim3A_459 = vector.broadcast %broadcast_in_dim3A_458 : i32 to vector<16xi32>
    %gather3A_460 = tpu.vector_load_idx %arg7[%broadcast_in_dim3A_459, %get3A_450] : memref<3x8192xf32, #tpu.memory_space<vmem>>[vector<16xi32>, vector<16xi32>], vector<16xf32>,
    %swap3A_461 = arith.constant 1 : i32
    %swap3A_462 = arith.index_cast %swap3A_461 : i32 to index
    %swap3A_463 = arith.constant 32 : index
    %swap3A_464 = tpu.vector_load %arg11[%swap3A_462, %swap3A_463] {strides = array<i32>} : memref<3x256xf32, #tpu.memory_space<vmem>>, vector<16xf32>,
    tpu.vector_store %arg11[%swap3A_462, %swap3A_463], %gather3A_460 {strides = array<i32>} : memref<3x256xf32, #tpu.memory_space<vmem>>, vector<16xf32>,
    %broadcast_in_dim3A_465 = arith.constant 2 : i32
    %broadcast_in_dim3A_466 = vector.broadcast %broadcast_in_dim3A_465 : i32 to vector<16xi32>
    %gather3A_467 = tpu.vector_load_idx %arg7[%broadcast_in_dim3A_466, %get3A_450] : memref<3x8192xf32, #tpu.memory_space<vmem>>[vector<16xi32>, vector<16xi32>], vector<16xf32>,
    %swap3A_468 = arith.constant 2 : i32
    %swap3A_469 = arith.index_cast %swap3A_468 : i32 to index
    %swap3A_470 = arith.constant 32 : index
    %swap3A_471 = tpu.vector_load %arg11[%swap3A_469, %swap3A_470] {strides = array<i32>} : memref<3x256xf32, #tpu.memory_space<vmem>>, vector<16xf32>,
    tpu.vector_store %arg11[%swap3A_469, %swap3A_470], %gather3A_467 {strides = array<i32>} : memref<3x256xf32, #tpu.memory_space<vmem>>, vector<16xf32>,
    %get3A_472 = arith.constant 0 : i32
    %get3A_473 = arith.index_cast %get3A_472 : i32 to index
    %get3A_474 = arith.constant 48 : index
    %get3A_475 = tpu.vector_load %arg9[%get3A_473, %get3A_474] {strides = array<i32>} : memref<2x128xi32, #tpu.memory_space<vmem>>, vector<16xi32>,
    %broadcast_in_dim3A_476 = arith.constant 0 : i32
    %broadcast_in_dim3A_477 = vector.broadcast %broadcast_in_dim3A_476 : i32 to vector<16xi32>
    %gather3A_478 = tpu.vector_load_idx %arg7[%broadcast_in_dim3A_477, %get3A_475] : memref<3x8192xf32, #tpu.memory_space<vmem>>[vector<16xi32>, vector<16xi32>], vector<16xf32>,
    %swap3A_479 = arith.constant 0 : i32
    %swap3A_480 = arith.index_cast %swap3A_479 : i32 to index
    %swap3A_481 = arith.constant 48 : index
    %swap3A_482 = tpu.vector_load %arg11[%swap3A_480, %swap3A_481] {strides = array<i32>} : memref<3x256xf32, #tpu.memory_space<vmem>>, vector<16xf32>,
    tpu.vector_store %arg11[%swap3A_480, %swap3A_481], %gather3A_478 {strides = array<i32>} : memref<3x256xf32, #tpu.memory_space<vmem>>, vector<16xf32>,
    %broadcast_in_dim3A_483 = arith.constant 1 : i32
    %broadcast_in_dim3A_484 = vector.broadcast %broadcast_in_dim3A_483 : i32 to vector<16xi32>
    %gather3A_485 = tpu.vector_load_idx %arg7[%broadcast_in_dim3A_484, %get3A_475] : memref<3x8192xf32, #tpu.memory_space<vmem>>[vector<16xi32>, vector<16xi32>], vector<16xf32>,
    %swap3A_486 = arith.constant 1 : i32
    %swap3A_487 = arith.index_cast %swap3A_486 : i32 to index
    %swap3A_488 = arith.constant 48 : index
    %swap3A_489 = tpu.vector_load %arg11[%swap3A_487, %swap3A_488] {strides = array<i32>} : memref<3x256xf32, #tpu.memory_space<vmem>>, vector<16xf32>,
    tpu.vector_store %arg11[%swap3A_487, %swap3A_488], %gather3A_485 {strides = array<i32>} : memref<3x256xf32, #tpu.memory_space<vmem>>, vector<16xf32>,
    %broadcast_in_dim3A_490 = arith.constant 2 : i32
    %broadcast_in_dim3A_491 = vector.broadcast %broadcast_in_dim3A_490 : i32 to vector<16xi32>
    %gather3A_492 = tpu.vector_load_idx %arg7[%broadcast_in_dim3A_491, %get3A_475] : memref<3x8192xf32, #tpu.memory_space<vmem>>[vector<16xi32>, vector<16xi32>], vector<16xf32>,
    %swap3A_493 = arith.constant 2 : i32
    %swap3A_494 = arith.index_cast %swap3A_493 : i32 to index
    %swap3A_495 = arith.constant 48 : index
    %swap3A_496 = tpu.vector_load %arg11[%swap3A_494, %swap3A_495] {strides = array<i32>} : memref<3x256xf32, #tpu.memory_space<vmem>>, vector<16xf32>,
    tpu.vector_store %arg11[%swap3A_494, %swap3A_495], %gather3A_492 {strides = array<i32>} : memref<3x256xf32, #tpu.memory_space<vmem>>, vector<16xf32>,
    %get3A_497 = arith.constant 0 : i32
    %get3A_498 = arith.index_cast %get3A_497 : i32 to index
    %get3A_499 = arith.constant 64 : index
    %get3A_500 = tpu.vector_load %arg9[%get3A_498, %get3A_499] {strides = array<i32>} : memref<2x128xi32, #tpu.memory_space<vmem>>, vector<16xi32>,
    %broadcast_in_dim3A_501 = arith.constant 0 : i32
    %broadcast_in_dim3A_502 = vector.broadcast %broadcast_in_dim3A_501 : i32 to vector<16xi32>
    %gather3A_503 = tpu.vector_load_idx %arg7[%broadcast_in_dim3A_502, %get3A_500] : memref<3x8192xf32, #tpu.memory_space<vmem>>[vector<16xi32>, vector<16xi32>], vector<16xf32>,
    %swap3A_504 = arith.constant 0 : i32
    %swap3A_505 = arith.index_cast %swap3A_504 : i32 to index
    %swap3A_506 = arith.constant 64 : index
    %swap3A_507 = tpu.vector_load %arg11[%swap3A_505, %swap3A_506] {strides = array<i32>} : memref<3x256xf32, #tpu.memory_space<vmem>>, vector<16xf32>,
    tpu.vector_store %arg11[%swap3A_505, %swap3A_506], %gather3A_503 {strides = array<i32>} : memref<3x256xf32, #tpu.memory_space<vmem>>, vector<16xf32>,
    %broadcast_in_dim3A_508 = arith.constant 1 : i32
    %broadcast_in_dim3A_509 = vector.broadcast %broadcast_in_dim3A_508 : i32 to vector<16xi32>
    %gather3A_510 = tpu.vector_load_idx %arg7[%broadcast_in_dim3A_509, %get3A_500] : memref<3x8192xf32, #tpu.memory_space<vmem>>[vector<16xi32>, vector<16xi32>], vector<16xf32>,
    %swap3A_511 = arith.constant 1 : i32
    %swap3A_512 = arith.index_cast %swap3A_511 : i32 to index
    %swap3A_513 = arith.constant 64 : index
    %swap3A_514 = tpu.vector_load %arg11[%swap3A_512, %swap3A_513] {strides = array<i32>} : memref<3x256xf32, #tpu.memory_space<vmem>>, vector<16xf32>,
    tpu.vector_store %arg11[%swap3A_512, %swap3A_513], %gather3A_510 {strides = array<i32>} : memref<3x256xf32, #tpu.memory_space<vmem>>, vector<16xf32>,
    %broadcast_in_dim3A_515 = arith.constant 2 : i32
    %broadcast_in_dim3A_516 = vector.broadcast %broadcast_in_dim3A_515 : i32 to vector<16xi32>
    %gather3A_517 = tpu.vector_load_idx %arg7[%broadcast_in_dim3A_516, %get3A_500] : memref<3x8192xf32, #tpu.memory_space<vmem>>[vector<16xi32>, vector<16xi32>], vector<16xf32>,
    %swap3A_518 = arith.constant 2 : i32
    %swap3A_519 = arith.index_cast %swap3A_518 : i32 to index
    %swap3A_520 = arith.constant 64 : index
    %swap3A_521 = tpu.vector_load %arg11[%swap3A_519, %swap3A_520] {strides = array<i32>} : memref<3x256xf32, #tpu.memory_space<vmem>>, vector<16xf32>,
    tpu.vector_store %arg11[%swap3A_519, %swap3A_520], %gather3A_517 {strides = array<i32>} : memref<3x256xf32, #tpu.memory_space<vmem>>, vector<16xf32>,
    %get3A_522 = arith.constant 0 : i32
    %get3A_523 = arith.index_cast %get3A_522 : i32 to index
    %get3A_524 = arith.constant 80 : index
    %get3A_525 = tpu.vector_load %arg9[%get3A_523, %get3A_524] {strides = array<i32>} : memref<2x128xi32, #tpu.memory_space<vmem>>, vector<16xi32>,
    %broadcast_in_dim3A_526 = arith.constant 0 : i32
    %broadcast_in_dim3A_527 = vector.broadcast %broadcast_in_dim3A_526 : i32 to vector<16xi32>
    %gather3A_528 = tpu.vector_load_idx %arg7[%broadcast_in_dim3A_527, %get3A_525] : memref<3x8192xf32, #tpu.memory_space<vmem>>[vector<16xi32>, vector<16xi32>], vector<16xf32>,
    %swap3A_529 = arith.constant 0 : i32
    %swap3A_530 = arith.index_cast %swap3A_529 : i32 to index
    %swap3A_531 = arith.constant 80 : index
    %swap3A_532 = tpu.vector_load %arg11[%swap3A_530, %swap3A_531] {strides = array<i32>} : memref<3x256xf32, #tpu.memory_space<vmem>>, vector<16xf32>,
    tpu.vector_store %arg11[%swap3A_530, %swap3A_531], %gather3A_528 {strides = array<i32>} : memref<3x256xf32, #tpu.memory_space<vmem>>, vector<16xf32>,
    %broadcast_in_dim3A_533 = arith.constant 1 : i32
    %broadcast_in_dim3A_534 = vector.broadcast %broadcast_in_dim3A_533 : i32 to vector<16xi32>
    %gather3A_535 = tpu.vector_load_idx %arg7[%broadcast_in_dim3A_534, %get3A_525] : memref<3x8192xf32, #tpu.memory_space<vmem>>[vector<16xi32>, vector<16xi32>], vector<16xf32>,
    %swap3A_536 = arith.constant 1 : i32
    %swap3A_537 = arith.index_cast %swap3A_536 : i32 to index
    %swap3A_538 = arith.constant 80 : index
    %swap3A_539 = tpu.vector_load %arg11[%swap3A_537, %swap3A_538] {strides = array<i32>} : memref<3x256xf32, #tpu.memory_space<vmem>>, vector<16xf32>,
    tpu.vector_store %arg11[%swap3A_537, %swap3A_538], %gather3A_535 {strides = array<i32>} : memref<3x256xf32, #tpu.memory_space<vmem>>, vector<16xf32>,
    %broadcast_in_dim3A_540 = arith.constant 2 : i32
    %broadcast_in_dim3A_541 = vector.broadcast %broadcast_in_dim3A_540 : i32 to vector<16xi32>
    %gather3A_542 = tpu.vector_load_idx %arg7[%broadcast_in_dim3A_541, %get3A_525] : memref<3x8192xf32, #tpu.memory_space<vmem>>[vector<16xi32>, vector<16xi32>], vector<16xf32>,
    %swap3A_543 = arith.constant 2 : i32
    %swap3A_544 = arith.index_cast %swap3A_543 : i32 to index
    %swap3A_545 = arith.constant 80 : index
    %swap3A_546 = tpu.vector_load %arg11[%swap3A_544, %swap3A_545] {strides = array<i32>} : memref<3x256xf32, #tpu.memory_space<vmem>>, vector<16xf32>,
    tpu.vector_store %arg11[%swap3A_544, %swap3A_545], %gather3A_542 {strides = array<i32>} : memref<3x256xf32, #tpu.memory_space<vmem>>, vector<16xf32>,
    %get3A_547 = arith.constant 0 : i32
    %get3A_548 = arith.index_cast %get3A_547 : i32 to index
    %get3A_549 = arith.constant 96 : index
    %get3A_550 = tpu.vector_load %arg9[%get3A_548, %get3A_549] {strides = array<i32>} : memref<2x128xi32, #tpu.memory_space<vmem>>, vector<16xi32>,
    %broadcast_in_dim3A_551 = arith.constant 0 : i32
    %broadcast_in_dim3A_552 = vector.broadcast %broadcast_in_dim3A_551 : i32 to vector<16xi32>
    %gather3A_553 = tpu.vector_load_idx %arg7[%broadcast_in_dim3A_552, %get3A_550] : memref<3x8192xf32, #tpu.memory_space<vmem>>[vector<16xi32>, vector<16xi32>], vector<16xf32>,
    %swap3A_554 = arith.constant 0 : i32
    %swap3A_555 = arith.index_cast %swap3A_554 : i32 to index
    %swap3A_556 = arith.constant 96 : index
    %swap3A_557 = tpu.vector_load %arg11[%swap3A_555, %swap3A_556] {strides = array<i32>} : memref<3x256xf32, #tpu.memory_space<vmem>>, vector<16xf32>,
    tpu.vector_store %arg11[%swap3A_555, %swap3A_556], %gather3A_553 {strides = array<i32>} : memref<3x256xf32, #tpu.memory_space<vmem>>, vector<16xf32>,
    %broadcast_in_dim3A_558 = arith.constant 1 : i32
    %broadcast_in_dim3A_559 = vector.broadcast %broadcast_in_dim3A_558 : i32 to vector<16xi32>
    %gather3A_560 = tpu.vector_load_idx %arg7[%broadcast_in_dim3A_559, %get3A_550] : memref<3x8192xf32, #tpu.memory_space<vmem>>[vector<16xi32>, vector<16xi32>], vector<16xf32>,
    %swap3A_561 = arith.constant 1 : i32
    %swap3A_562 = arith.index_cast %swap3A_561 : i32 to index
    %swap3A_563 = arith.constant 96 : index
    %swap3A_564 = tpu.vector_load %arg11[%swap3A_562, %swap3A_563] {strides = array<i32>} : memref<3x256xf32, #tpu.memory_space<vmem>>, vector<16xf32>,
    tpu.vector_store %arg11[%swap3A_562, %swap3A_563], %gather3A_560 {strides = array<i32>} : memref<3x256xf32, #tpu.memory_space<vmem>>, vector<16xf32>,
    %broadcast_in_dim3A_565 = arith.constant 2 : i32
    %broadcast_in_dim3A_566 = vector.broadcast %broadcast_in_dim3A_565 : i32 to vector<16xi32>
    %gather3A_567 = tpu.vector_load_idx %arg7[%broadcast_in_dim3A_566, %get3A_550] : memref<3x8192xf32, #tpu.memory_space<vmem>>[vector<16xi32>, vector<16xi32>], vector<16xf32>,
    %swap3A_568 = arith.constant 2 : i32
    %swap3A_569 = arith.index_cast %swap3A_568 : i32 to index
    %swap3A_570 = arith.constant 96 : index
    %swap3A_571 = tpu.vector_load %arg11[%swap3A_569, %swap3A_570] {strides = array<i32>} : memref<3x256xf32, #tpu.memory_space<vmem>>, vector<16xf32>,
    tpu.vector_store %arg11[%swap3A_569, %swap3A_570], %gather3A_567 {strides = array<i32>} : memref<3x256xf32, #tpu.memory_space<vmem>>, vector<16xf32>,
    %get3A_572 = arith.constant 0 : i32
    %get3A_573 = arith.index_cast %get3A_572 : i32 to index
    %get3A_574 = arith.constant 112 : index
    %get3A_575 = tpu.vector_load %arg9[%get3A_573, %get3A_574] {strides = array<i32>} : memref<2x128xi32, #tpu.memory_space<vmem>>, vector<16xi32>,
    %broadcast_in_dim3A_576 = arith.constant 0 : i32
    %broadcast_in_dim3A_577 = vector.broadcast %broadcast_in_dim3A_576 : i32 to vector<16xi32>
    %gather3A_578 = tpu.vector_load_idx %arg7[%broadcast_in_dim3A_577, %get3A_575] : memref<3x8192xf32, #tpu.memory_space<vmem>>[vector<16xi32>, vector<16xi32>], vector<16xf32>,
    %swap3A_579 = arith.constant 0 : i32
    %swap3A_580 = arith.index_cast %swap3A_579 : i32 to index
    %swap3A_581 = arith.constant 112 : index
    %swap3A_582 = tpu.vector_load %arg11[%swap3A_580, %swap3A_581] {strides = array<i32>} : memref<3x256xf32, #tpu.memory_space<vmem>>, vector<16xf32>,
    tpu.vector_store %arg11[%swap3A_580, %swap3A_581], %gather3A_578 {strides = array<i32>} : memref<3x256xf32, #tpu.memory_space<vmem>>, vector<16xf32>,
    %broadcast_in_dim3A_583 = arith.constant 1 : i32
    %broadcast_in_dim3A_584 = vector.broadcast %broadcast_in_dim3A_583 : i32 to vector<16xi32>
    %gather3A_585 = tpu.vector_load_idx %arg7[%broadcast_in_dim3A_584, %get3A_575] : memref<3x8192xf32, #tpu.memory_space<vmem>>[vector<16xi32>, vector<16xi32>], vector<16xf32>,
    %swap3A_586 = arith.constant 1 : i32
    %swap3A_587 = arith.index_cast %swap3A_586 : i32 to index
    %swap3A_588 = arith.constant 112 : index
    %swap3A_589 = tpu.vector_load %arg11[%swap3A_587, %swap3A_588] {strides = array<i32>} : memref<3x256xf32, #tpu.memory_space<vmem>>, vector<16xf32>,
    tpu.vector_store %arg11[%swap3A_587, %swap3A_588], %gather3A_585 {strides = array<i32>} : memref<3x256xf32, #tpu.memory_space<vmem>>, vector<16xf32>,
    %broadcast_in_dim3A_590 = arith.constant 2 : i32
    %broadcast_in_dim3A_591 = vector.broadcast %broadcast_in_dim3A_590 : i32 to vector<16xi32>
    %gather3A_592 = tpu.vector_load_idx %arg7[%broadcast_in_dim3A_591, %get3A_575] : memref<3x8192xf32, #tpu.memory_space<vmem>>[vector<16xi32>, vector<16xi32>], vector<16xf32>,
    %swap3A_593 = arith.constant 2 : i32
    %swap3A_594 = arith.index_cast %swap3A_593 : i32 to index
    %swap3A_595 = arith.constant 112 : index
    %swap3A_596 = tpu.vector_load %arg11[%swap3A_594, %swap3A_595] {strides = array<i32>} : memref<3x256xf32, #tpu.memory_space<vmem>>, vector<16xf32>,
    tpu.vector_store %arg11[%swap3A_594, %swap3A_595], %gather3A_592 {strides = array<i32>} : memref<3x256xf32, #tpu.memory_space<vmem>>, vector<16xf32>,
    %get3A_597 = arith.constant 1 : i32
    %get3A_598 = arith.index_cast %get3A_597 : i32 to index
    %get3A_599 = arith.constant 0 : index
    %get3A_600 = tpu.vector_load %arg9[%get3A_598, %get3A_599] {strides = array<i32>} : memref<2x128xi32, #tpu.memory_space<vmem>>, vector<16xi32>,
    %broadcast_in_dim3A_601 = arith.constant 0 : i32
    %broadcast_in_dim3A_602 = vector.broadcast %broadcast_in_dim3A_601 : i32 to vector<16xi32>
    %gather3A_603 = tpu.vector_load_idx %arg7[%broadcast_in_dim3A_602, %get3A_600] : memref<3x8192xf32, #tpu.memory_space<vmem>>[vector<16xi32>, vector<16xi32>], vector<16xf32>,
    %swap3A_604 = arith.constant 0 : i32
    %swap3A_605 = arith.index_cast %swap3A_604 : i32 to index
    %swap3A_606 = arith.constant 128 : index
    %swap3A_607 = tpu.vector_load %arg11[%swap3A_605, %swap3A_606] {strides = array<i32>} : memref<3x256xf32, #tpu.memory_space<vmem>>, vector<16xf32>,
    tpu.vector_store %arg11[%swap3A_605, %swap3A_606], %gather3A_603 {strides = array<i32>} : memref<3x256xf32, #tpu.memory_space<vmem>>, vector<16xf32>,
    %broadcast_in_dim3A_608 = arith.constant 1 : i32
    %broadcast_in_dim3A_609 = vector.broadcast %broadcast_in_dim3A_608 : i32 to vector<16xi32>
    %gather3A_610 = tpu.vector_load_idx %arg7[%broadcast_in_dim3A_609, %get3A_600] : memref<3x8192xf32, #tpu.memory_space<vmem>>[vector<16xi32>, vector<16xi32>], vector<16xf32>,
    %swap3A_611 = arith.constant 1 : i32
    %swap3A_612 = arith.index_cast %swap3A_611 : i32 to index
    %swap3A_613 = arith.constant 128 : index
    %swap3A_614 = tpu.vector_load %arg11[%swap3A_612, %swap3A_613] {strides = array<i32>} : memref<3x256xf32, #tpu.memory_space<vmem>>, vector<16xf32>,
    tpu.vector_store %arg11[%swap3A_612, %swap3A_613], %gather3A_610 {strides = array<i32>} : memref<3x256xf32, #tpu.memory_space<vmem>>, vector<16xf32>,
    %broadcast_in_dim3A_615 = arith.constant 2 : i32
    %broadcast_in_dim3A_616 = vector.broadcast %broadcast_in_dim3A_615 : i32 to vector<16xi32>
    %gather3A_617 = tpu.vector_load_idx %arg7[%broadcast_in_dim3A_616, %get3A_600] : memref<3x8192xf32, #tpu.memory_space<vmem>>[vector<16xi32>, vector<16xi32>], vector<16xf32>,
    %swap3A_618 = arith.constant 2 : i32
    %swap3A_619 = arith.index_cast %swap3A_618 : i32 to index
    %swap3A_620 = arith.constant 128 : index
    %swap3A_621 = tpu.vector_load %arg11[%swap3A_619, %swap3A_620] {strides = array<i32>} : memref<3x256xf32, #tpu.memory_space<vmem>>, vector<16xf32>,
    tpu.vector_store %arg11[%swap3A_619, %swap3A_620], %gather3A_617 {strides = array<i32>} : memref<3x256xf32, #tpu.memory_space<vmem>>, vector<16xf32>,
    %get3A_622 = arith.constant 1 : i32
    %get3A_623 = arith.index_cast %get3A_622 : i32 to index
    %get3A_624 = arith.constant 16 : index
    %get3A_625 = tpu.vector_load %arg9[%get3A_623, %get3A_624] {strides = array<i32>} : memref<2x128xi32, #tpu.memory_space<vmem>>, vector<16xi32>,
    %broadcast_in_dim3A_626 = arith.constant 0 : i32
    %broadcast_in_dim3A_627 = vector.broadcast %broadcast_in_dim3A_626 : i32 to vector<16xi32>
    %gather3A_628 = tpu.vector_load_idx %arg7[%broadcast_in_dim3A_627, %get3A_625] : memref<3x8192xf32, #tpu.memory_space<vmem>>[vector<16xi32>, vector<16xi32>], vector<16xf32>,
    %swap3A_629 = arith.constant 0 : i32
    %swap3A_630 = arith.index_cast %swap3A_629 : i32 to index
    %swap3A_631 = arith.constant 144 : index
    %swap3A_632 = tpu.vector_load %arg11[%swap3A_630, %swap3A_631] {strides = array<i32>} : memref<3x256xf32, #tpu.memory_space<vmem>>, vector<16xf32>,
    tpu.vector_store %arg11[%swap3A_630, %swap3A_631], %gather3A_628 {strides = array<i32>} : memref<3x256xf32, #tpu.memory_space<vmem>>, vector<16xf32>,
    %broadcast_in_dim3A_633 = arith.constant 1 : i32
    %broadcast_in_dim3A_634 = vector.broadcast %broadcast_in_dim3A_633 : i32 to vector<16xi32>
    %gather3A_635 = tpu.vector_load_idx %arg7[%broadcast_in_dim3A_634, %get3A_625] : memref<3x8192xf32, #tpu.memory_space<vmem>>[vector<16xi32>, vector<16xi32>], vector<16xf32>,
    %swap3A_636 = arith.constant 1 : i32
    %swap3A_637 = arith.index_cast %swap3A_636 : i32 to index
    %swap3A_638 = arith.constant 144 : index
    %swap3A_639 = tpu.vector_load %arg11[%swap3A_637, %swap3A_638] {strides = array<i32>} : memref<3x256xf32, #tpu.memory_space<vmem>>, vector<16xf32>,
    tpu.vector_store %arg11[%swap3A_637, %swap3A_638], %gather3A_635 {strides = array<i32>} : memref<3x256xf32, #tpu.memory_space<vmem>>, vector<16xf32>,
    %broadcast_in_dim3A_640 = arith.constant 2 : i32
    %broadcast_in_dim3A_641 = vector.broadcast %broadcast_in_dim3A_640 : i32 to vector<16xi32>
    %gather3A_642 = tpu.vector_load_idx %arg7[%broadcast_in_dim3A_641, %get3A_625] : memref<3x8192xf32, #tpu.memory_space<vmem>>[vector<16xi32>, vector<16xi32>], vector<16xf32>,
    %swap3A_643 = arith.constant 2 : i32
    %swap3A_644 = arith.index_cast %swap3A_643 : i32 to index
    %swap3A_645 = arith.constant 144 : index
    %swap3A_646 = tpu.vector_load %arg11[%swap3A_644, %swap3A_645] {strides = array<i32>} : memref<3x256xf32, #tpu.memory_space<vmem>>, vector<16xf32>,
    tpu.vector_store %arg11[%swap3A_644, %swap3A_645], %gather3A_642 {strides = array<i32>} : memref<3x256xf32, #tpu.memory_space<vmem>>, vector<16xf32>,
    %get3A_647 = arith.constant 1 : i32
    %get3A_648 = arith.index_cast %get3A_647 : i32 to index
    %get3A_649 = arith.constant 32 : index
    %get3A_650 = tpu.vector_load %arg9[%get3A_648, %get3A_649] {strides = array<i32>} : memref<2x128xi32, #tpu.memory_space<vmem>>, vector<16xi32>,
    %broadcast_in_dim3A_651 = arith.constant 0 : i32
    %broadcast_in_dim3A_652 = vector.broadcast %broadcast_in_dim3A_651 : i32 to vector<16xi32>
    %gather3A_653 = tpu.vector_load_idx %arg7[%broadcast_in_dim3A_652, %get3A_650] : memref<3x8192xf32, #tpu.memory_space<vmem>>[vector<16xi32>, vector<16xi32>], vector<16xf32>,
    %swap3A_654 = arith.constant 0 : i32
    %swap3A_655 = arith.index_cast %swap3A_654 : i32 to index
    %swap3A_656 = arith.constant 160 : index
    %swap3A_657 = tpu.vector_load %arg11[%swap3A_655, %swap3A_656] {strides = array<i32>} : memref<3x256xf32, #tpu.memory_space<vmem>>, vector<16xf32>,
    tpu.vector_store %arg11[%swap3A_655, %swap3A_656], %gather3A_653 {strides = array<i32>} : memref<3x256xf32, #tpu.memory_space<vmem>>, vector<16xf32>,
    %broadcast_in_dim3A_658 = arith.constant 1 : i32
    %broadcast_in_dim3A_659 = vector.broadcast %broadcast_in_dim3A_658 : i32 to vector<16xi32>
    %gather3A_660 = tpu.vector_load_idx %arg7[%broadcast_in_dim3A_659, %get3A_650] : memref<3x8192xf32, #tpu.memory_space<vmem>>[vector<16xi32>, vector<16xi32>], vector<16xf32>,
    %swap3A_661 = arith.constant 1 : i32
    %swap3A_662 = arith.index_cast %swap3A_661 : i32 to index
    %swap3A_663 = arith.constant 160 : index
    %swap3A_664 = tpu.vector_load %arg11[%swap3A_662, %swap3A_663] {strides = array<i32>} : memref<3x256xf32, #tpu.memory_space<vmem>>, vector<16xf32>,
    tpu.vector_store %arg11[%swap3A_662, %swap3A_663], %gather3A_660 {strides = array<i32>} : memref<3x256xf32, #tpu.memory_space<vmem>>, vector<16xf32>,
    %broadcast_in_dim3A_665 = arith.constant 2 : i32
    %broadcast_in_dim3A_666 = vector.broadcast %broadcast_in_dim3A_665 : i32 to vector<16xi32>
    %gather3A_667 = tpu.vector_load_idx %arg7[%broadcast_in_dim3A_666, %get3A_650] : memref<3x8192xf32, #tpu.memory_space<vmem>>[vector<16xi32>, vector<16xi32>], vector<16xf32>,
    %swap3A_668 = arith.constant 2 : i32
    %swap3A_669 = arith.index_cast %swap3A_668 : i32 to index
    %swap3A_670 = arith.constant 160 : index
    %swap3A_671 = tpu.vector_load %arg11[%swap3A_669, %swap3A_670] {strides = array<i32>} : memref<3x256xf32, #tpu.memory_space<vmem>>, vector<16xf32>,
    tpu.vector_store %arg11[%swap3A_669, %swap3A_670], %gather3A_667 {strides = array<i32>} : memref<3x256xf32, #tpu.memory_space<vmem>>, vector<16xf32>,
    %get3A_672 = arith.constant 1 : i32
    %get3A_673 = arith.index_cast %get3A_672 : i32 to index
    %get3A_674 = arith.constant 48 : index
    %get3A_675 = tpu.vector_load %arg9[%get3A_673, %get3A_674] {strides = array<i32>} : memref<2x128xi32, #tpu.memory_space<vmem>>, vector<16xi32>,
    %broadcast_in_dim3A_676 = arith.constant 0 : i32
    %broadcast_in_dim3A_677 = vector.broadcast %broadcast_in_dim3A_676 : i32 to vector<16xi32>
    %gather3A_678 = tpu.vector_load_idx %arg7[%broadcast_in_dim3A_677, %get3A_675] : memref<3x8192xf32, #tpu.memory_space<vmem>>[vector<16xi32>, vector<16xi32>], vector<16xf32>,
    %swap3A_679 = arith.constant 0 : i32
    %swap3A_680 = arith.index_cast %swap3A_679 : i32 to index
    %swap3A_681 = arith.constant 176 : index
    %swap3A_682 = tpu.vector_load %arg11[%swap3A_680, %swap3A_681] {strides = array<i32>} : memref<3x256xf32, #tpu.memory_space<vmem>>, vector<16xf32>,
    tpu.vector_store %arg11[%swap3A_680, %swap3A_681], %gather3A_678 {strides = array<i32>} : memref<3x256xf32, #tpu.memory_space<vmem>>, vector<16xf32>,
    %broadcast_in_dim3A_683 = arith.constant 1 : i32
    %broadcast_in_dim3A_684 = vector.broadcast %broadcast_in_dim3A_683 : i32 to vector<16xi32>
    %gather3A_685 = tpu.vector_load_idx %arg7[%broadcast_in_dim3A_684, %get3A_675] : memref<3x8192xf32, #tpu.memory_space<vmem>>[vector<16xi32>, vector<16xi32>], vector<16xf32>,
    %swap3A_686 = arith.constant 1 : i32
    %swap3A_687 = arith.index_cast %swap3A_686 : i32 to index
    %swap3A_688 = arith.constant 176 : index
    %swap3A_689 = tpu.vector_load %arg11[%swap3A_687, %swap3A_688] {strides = array<i32>} : memref<3x256xf32, #tpu.memory_space<vmem>>, vector<16xf32>,
    tpu.vector_store %arg11[%swap3A_687, %swap3A_688], %gather3A_685 {strides = array<i32>} : memref<3x256xf32, #tpu.memory_space<vmem>>, vector<16xf32>,
    %broadcast_in_dim3A_690 = arith.constant 2 : i32
    %broadcast_in_dim3A_691 = vector.broadcast %broadcast_in_dim3A_690 : i32 to vector<16xi32>
    %gather3A_692 = tpu.vector_load_idx %arg7[%broadcast_in_dim3A_691, %get3A_675] : memref<3x8192xf32, #tpu.memory_space<vmem>>[vector<16xi32>, vector<16xi32>], vector<16xf32>,
    %swap3A_693 = arith.constant 2 : i32
    %swap3A_694 = arith.index_cast %swap3A_693 : i32 to index
    %swap3A_695 = arith.constant 176 : index
    %swap3A_696 = tpu.vector_load %arg11[%swap3A_694, %swap3A_695] {strides = array<i32>} : memref<3x256xf32, #tpu.memory_space<vmem>>, vector<16xf32>,
    tpu.vector_store %arg11[%swap3A_694, %swap3A_695], %gather3A_692 {strides = array<i32>} : memref<3x256xf32, #tpu.memory_space<vmem>>, vector<16xf32>,
    %get3A_697 = arith.constant 1 : i32
    %get3A_698 = arith.index_cast %get3A_697 : i32 to index
    %get3A_699 = arith.constant 64 : index
    %get3A_700 = tpu.vector_load %arg9[%get3A_698, %get3A_699] {strides = array<i32>} : memref<2x128xi32, #tpu.memory_space<vmem>>, vector<16xi32>,
    %broadcast_in_dim3A_701 = arith.constant 0 : i32
    %broadcast_in_dim3A_702 = vector.broadcast %broadcast_in_dim3A_701 : i32 to vector<16xi32>
    %gather3A_703 = tpu.vector_load_idx %arg7[%broadcast_in_dim3A_702, %get3A_700] : memref<3x8192xf32, #tpu.memory_space<vmem>>[vector<16xi32>, vector<16xi32>], vector<16xf32>,
    %swap3A_704 = arith.constant 0 : i32
    %swap3A_705 = arith.index_cast %swap3A_704 : i32 to index
    %swap3A_706 = arith.constant 192 : index
    %swap3A_707 = tpu.vector_load %arg11[%swap3A_705, %swap3A_706] {strides = array<i32>} : memref<3x256xf32, #tpu.memory_space<vmem>>, vector<16xf32>,
    tpu.vector_store %arg11[%swap3A_705, %swap3A_706], %gather3A_703 {strides = array<i32>} : memref<3x256xf32, #tpu.memory_space<vmem>>, vector<16xf32>,
    %broadcast_in_dim3A_708 = arith.constant 1 : i32
    %broadcast_in_dim3A_709 = vector.broadcast %broadcast_in_dim3A_708 : i32 to vector<16xi32>
    %gather3A_710 = tpu.vector_load_idx %arg7[%broadcast_in_dim3A_709, %get3A_700] : memref<3x8192xf32, #tpu.memory_space<vmem>>[vector<16xi32>, vector<16xi32>], vector<16xf32>,
    %swap3A_711 = arith.constant 1 : i32
    %swap3A_712 = arith.index_cast %swap3A_711 : i32 to index
    %swap3A_713 = arith.constant 192 : index
    %swap3A_714 = tpu.vector_load %arg11[%swap3A_712, %swap3A_713] {strides = array<i32>} : memref<3x256xf32, #tpu.memory_space<vmem>>, vector<16xf32>,
    tpu.vector_store %arg11[%swap3A_712, %swap3A_713], %gather3A_710 {strides = array<i32>} : memref<3x256xf32, #tpu.memory_space<vmem>>, vector<16xf32>,
    %broadcast_in_dim3A_715 = arith.constant 2 : i32
    %broadcast_in_dim3A_716 = vector.broadcast %broadcast_in_dim3A_715 : i32 to vector<16xi32>
    %gather3A_717 = tpu.vector_load_idx %arg7[%broadcast_in_dim3A_716, %get3A_700] : memref<3x8192xf32, #tpu.memory_space<vmem>>[vector<16xi32>, vector<16xi32>], vector<16xf32>,
    %swap3A_718 = arith.constant 2 : i32
    %swap3A_719 = arith.index_cast %swap3A_718 : i32 to index
    %swap3A_720 = arith.constant 192 : index
    %swap3A_721 = tpu.vector_load %arg11[%swap3A_719, %swap3A_720] {strides = array<i32>} : memref<3x256xf32, #tpu.memory_space<vmem>>, vector<16xf32>,
    tpu.vector_store %arg11[%swap3A_719, %swap3A_720], %gather3A_717 {strides = array<i32>} : memref<3x256xf32, #tpu.memory_space<vmem>>, vector<16xf32>,
    %get3A_722 = arith.constant 1 : i32
    %get3A_723 = arith.index_cast %get3A_722 : i32 to index
    %get3A_724 = arith.constant 80 : index
    %get3A_725 = tpu.vector_load %arg9[%get3A_723, %get3A_724] {strides = array<i32>} : memref<2x128xi32, #tpu.memory_space<vmem>>, vector<16xi32>,
    %broadcast_in_dim3A_726 = arith.constant 0 : i32
    %broadcast_in_dim3A_727 = vector.broadcast %broadcast_in_dim3A_726 : i32 to vector<16xi32>
    %gather3A_728 = tpu.vector_load_idx %arg7[%broadcast_in_dim3A_727, %get3A_725] : memref<3x8192xf32, #tpu.memory_space<vmem>>[vector<16xi32>, vector<16xi32>], vector<16xf32>,
    %swap3A_729 = arith.constant 0 : i32
    %swap3A_730 = arith.index_cast %swap3A_729 : i32 to index
    %swap3A_731 = arith.constant 208 : index
    %swap3A_732 = tpu.vector_load %arg11[%swap3A_730, %swap3A_731] {strides = array<i32>} : memref<3x256xf32, #tpu.memory_space<vmem>>, vector<16xf32>,
    tpu.vector_store %arg11[%swap3A_730, %swap3A_731], %gather3A_728 {strides = array<i32>} : memref<3x256xf32, #tpu.memory_space<vmem>>, vector<16xf32>,
    %broadcast_in_dim3A_733 = arith.constant 1 : i32
    %broadcast_in_dim3A_734 = vector.broadcast %broadcast_in_dim3A_733 : i32 to vector<16xi32>
    %gather3A_735 = tpu.vector_load_idx %arg7[%broadcast_in_dim3A_734, %get3A_725] : memref<3x8192xf32, #tpu.memory_space<vmem>>[vector<16xi32>, vector<16xi32>], vector<16xf32>,
    %swap3A_736 = arith.constant 1 : i32
    %swap3A_737 = arith.index_cast %swap3A_736 : i32 to index
    %swap3A_738 = arith.constant 208 : index
    %swap3A_739 = tpu.vector_load %arg11[%swap3A_737, %swap3A_738] {strides = array<i32>} : memref<3x256xf32, #tpu.memory_space<vmem>>, vector<16xf32>,
    tpu.vector_store %arg11[%swap3A_737, %swap3A_738], %gather3A_735 {strides = array<i32>} : memref<3x256xf32, #tpu.memory_space<vmem>>, vector<16xf32>,
    %broadcast_in_dim3A_740 = arith.constant 2 : i32
    %broadcast_in_dim3A_741 = vector.broadcast %broadcast_in_dim3A_740 : i32 to vector<16xi32>
    %gather3A_742 = tpu.vector_load_idx %arg7[%broadcast_in_dim3A_741, %get3A_725] : memref<3x8192xf32, #tpu.memory_space<vmem>>[vector<16xi32>, vector<16xi32>], vector<16xf32>,
    %swap3A_743 = arith.constant 2 : i32
    %swap3A_744 = arith.index_cast %swap3A_743 : i32 to index
    %swap3A_745 = arith.constant 208 : index
    %swap3A_746 = tpu.vector_load %arg11[%swap3A_744, %swap3A_745] {strides = array<i32>} : memref<3x256xf32, #tpu.memory_space<vmem>>, vector<16xf32>,
    tpu.vector_store %arg11[%swap3A_744, %swap3A_745], %gather3A_742 {strides = array<i32>} : memref<3x256xf32, #tpu.memory_space<vmem>>, vector<16xf32>,
    %get3A_747 = arith.constant 1 : i32
    %get3A_748 = arith.index_cast %get3A_747 : i32 to index
    %get3A_749 = arith.constant 96 : index
    %get3A_750 = tpu.vector_load %arg9[%get3A_748, %get3A_749] {strides = array<i32>} : memref<2x128xi32, #tpu.memory_space<vmem>>, vector<16xi32>,
    %broadcast_in_dim3A_751 = arith.constant 0 : i32
    %broadcast_in_dim3A_752 = vector.broadcast %broadcast_in_dim3A_751 : i32 to vector<16xi32>
    %gather3A_753 = tpu.vector_load_idx %arg7[%broadcast_in_dim3A_752, %get3A_750] : memref<3x8192xf32, #tpu.memory_space<vmem>>[vector<16xi32>, vector<16xi32>], vector<16xf32>,
    %swap3A_754 = arith.constant 0 : i32
    %swap3A_755 = arith.index_cast %swap3A_754 : i32 to index
    %swap3A_756 = arith.constant 224 : index
    %swap3A_757 = tpu.vector_load %arg11[%swap3A_755, %swap3A_756] {strides = array<i32>} : memref<3x256xf32, #tpu.memory_space<vmem>>, vector<16xf32>,
    tpu.vector_store %arg11[%swap3A_755, %swap3A_756], %gather3A_753 {strides = array<i32>} : memref<3x256xf32, #tpu.memory_space<vmem>>, vector<16xf32>,
    %broadcast_in_dim3A_758 = arith.constant 1 : i32
    %broadcast_in_dim3A_759 = vector.broadcast %broadcast_in_dim3A_758 : i32 to vector<16xi32>
    %gather3A_760 = tpu.vector_load_idx %arg7[%broadcast_in_dim3A_759, %get3A_750] : memref<3x8192xf32, #tpu.memory_space<vmem>>[vector<16xi32>, vector<16xi32>], vector<16xf32>,
    %swap3A_761 = arith.constant 1 : i32
    %swap3A_762 = arith.index_cast %swap3A_761 : i32 to index
    %swap3A_763 = arith.constant 224 : index
    %swap3A_764 = tpu.vector_load %arg11[%swap3A_762, %swap3A_763] {strides = array<i32>} : memref<3x256xf32, #tpu.memory_space<vmem>>, vector<16xf32>,
    tpu.vector_store %arg11[%swap3A_762, %swap3A_763], %gather3A_760 {strides = array<i32>} : memref<3x256xf32, #tpu.memory_space<vmem>>, vector<16xf32>,
    %broadcast_in_dim3A_765 = arith.constant 2 : i32
    %broadcast_in_dim3A_766 = vector.broadcast %broadcast_in_dim3A_765 : i32 to vector<16xi32>
    %gather3A_767 = tpu.vector_load_idx %arg7[%broadcast_in_dim3A_766, %get3A_750] : memref<3x8192xf32, #tpu.memory_space<vmem>>[vector<16xi32>, vector<16xi32>], vector<16xf32>,
    %swap3A_768 = arith.constant 2 : i32
    %swap3A_769 = arith.index_cast %swap3A_768 : i32 to index
    %swap3A_770 = arith.constant 224 : index
    %swap3A_771 = tpu.vector_load %arg11[%swap3A_769, %swap3A_770] {strides = array<i32>} : memref<3x256xf32, #tpu.memory_space<vmem>>, vector<16xf32>,
    tpu.vector_store %arg11[%swap3A_769, %swap3A_770], %gather3A_767 {strides = array<i32>} : memref<3x256xf32, #tpu.memory_space<vmem>>, vector<16xf32>,
    %get3A_772 = arith.constant 1 : i32
    %get3A_773 = arith.index_cast %get3A_772 : i32 to index
    %get3A_774 = arith.constant 112 : index
    %get3A_775 = tpu.vector_load %arg9[%get3A_773, %get3A_774] {strides = array<i32>} : memref<2x128xi32, #tpu.memory_space<vmem>>, vector<16xi32>,
    %broadcast_in_dim3A_776 = arith.constant 0 : i32
    %broadcast_in_dim3A_777 = vector.broadcast %broadcast_in_dim3A_776 : i32 to vector<16xi32>
    %gather3A_778 = tpu.vector_load_idx %arg7[%broadcast_in_dim3A_777, %get3A_775] : memref<3x8192xf32, #tpu.memory_space<vmem>>[vector<16xi32>, vector<16xi32>], vector<16xf32>,
    %swap3A_779 = arith.constant 0 : i32
    %swap3A_780 = arith.index_cast %swap3A_779 : i32 to index
    %swap3A_781 = arith.constant 240 : index
    %swap3A_782 = tpu.vector_load %arg11[%swap3A_780, %swap3A_781] {strides = array<i32>} : memref<3x256xf32, #tpu.memory_space<vmem>>, vector<16xf32>,
    tpu.vector_store %arg11[%swap3A_780, %swap3A_781], %gather3A_778 {strides = array<i32>} : memref<3x256xf32, #tpu.memory_space<vmem>>, vector<16xf32>,
    %broadcast_in_dim3A_783 = arith.constant 1 : i32
    %broadcast_in_dim3A_784 = vector.broadcast %broadcast_in_dim3A_783 : i32 to vector<16xi32>
    %gather3A_785 = tpu.vector_load_idx %arg7[%broadcast_in_dim3A_784, %get3A_775] : memref<3x8192xf32, #tpu.memory_space<vmem>>[vector<16xi32>, vector<16xi32>], vector<16xf32>,
    %swap3A_786 = arith.constant 1 : i32
    %swap3A_787 = arith.index_cast %swap3A_786 : i32 to index
    %swap3A_788 = arith.constant 240 : index
    %swap3A_789 = tpu.vector_load %arg11[%swap3A_787, %swap3A_788] {strides = array<i32>} : memref<3x256xf32, #tpu.memory_space<vmem>>, vector<16xf32>,
    tpu.vector_store %arg11[%swap3A_787, %swap3A_788], %gather3A_785 {strides = array<i32>} : memref<3x256xf32, #tpu.memory_space<vmem>>, vector<16xf32>,
    %broadcast_in_dim3A_790 = arith.constant 2 : i32
    %broadcast_in_dim3A_791 = vector.broadcast %broadcast_in_dim3A_790 : i32 to vector<16xi32>
    %gather3A_792 = tpu.vector_load_idx %arg7[%broadcast_in_dim3A_791, %get3A_775] : memref<3x8192xf32, #tpu.memory_space<vmem>>[vector<16xi32>, vector<16xi32>], vector<16xf32>,
    %swap3A_793 = arith.constant 2 : i32
    %swap3A_794 = arith.index_cast %swap3A_793 : i32 to index
    %swap3A_795 = arith.constant 240 : index
    %swap3A_796 = tpu.vector_load %arg11[%swap3A_794, %swap3A_795] {strides = array<i32>} : memref<3x256xf32, #tpu.memory_space<vmem>>, vector<16xf32>,
    tpu.vector_store %arg11[%swap3A_794, %swap3A_795], %gather3A_792 {strides = array<i32>} : memref<3x256xf32, #tpu.memory_space<vmem>>, vector<16xf32>,
    "tpu.region"() ({
      %run_scoped3A = tpu.sem_alloc : memref<!tpu.dma_semaphore, #tpu.memory_space<semaphore_mem>>
      %dma_start3A = arith.constant 0 : i32
      %dma_start3A_797 = arith.constant 0 : i32
      %dma_start3A_798 = tpu.memref_slice %arg5[%add3A, %dma_start3A, %dma_start3A_797] : memref<32x3x256xf32, #tpu.memory_space<hbm>> -> memref<1x3x256xf32, #tpu.memory_space<hbm>>
      %dma_start3A_799 = tpu.memref_squeeze %dma_start3A_798 : memref<1x3x256xf32, #tpu.memory_space<hbm>> -> memref<3x256xf32, #tpu.memory_space<hbm>>
      %dma_start3A_800 = arith.constant 0 : i32
      %dma_start3A_801 = arith.constant 0 : i32
      %dma_start3A_802 = tpu.memref_slice %arg5[%add3A, %dma_start3A_800, %dma_start3A_801] : memref<32x3x256xf32, #tpu.memory_space<hbm>> -> memref<1x3x256xf32, #tpu.memory_space<hbm>>
      %dma_start3A_803 = tpu.memref_squeeze %dma_start3A_802 : memref<1x3x256xf32, #tpu.memory_space<hbm>> -> memref<3x256xf32, #tpu.memory_space<hbm>>
      tpu.enqueue_dma source(%arg10 : memref<3x256xf32, #tpu.memory_space<vmem>>) target(%dma_start3A_803 : memref<3x256xf32, #tpu.memory_space<hbm>>) target_semaphore(%run_scoped3A : memref<!tpu.dma_semaphore, #tpu.memory_space<semaphore_mem>>)
      %dma_wait3A = arith.constant 0 : i32
      %dma_wait3A_804 = arith.constant 0 : i32
      %dma_wait3A_805 = tpu.memref_slice %arg5[%add3A, %dma_wait3A, %dma_wait3A_804] : memref<32x3x256xf32, #tpu.memory_space<hbm>> -> memref<1x3x256xf32, #tpu.memory_space<hbm>>
      %dma_wait3A_806 = tpu.memref_squeeze %dma_wait3A_805 : memref<1x3x256xf32, #tpu.memory_space<hbm>> -> memref<3x256xf32, #tpu.memory_space<hbm>>
      %dma_wait3A_807 = arith.constant 0 : i32
      %dma_wait3A_808 = arith.constant 0 : i32
      %dma_wait3A_809 = tpu.memref_slice %arg5[%add3A, %dma_wait3A_807, %dma_wait3A_808] : memref<32x3x256xf32, #tpu.memory_space<hbm>> -> memref<1x3x256xf32, #tpu.memory_space<hbm>>
      %dma_wait3A_810 = tpu.memref_squeeze %dma_wait3A_809 : memref<1x3x256xf32, #tpu.memory_space<hbm>> -> memref<3x256xf32, #tpu.memory_space<hbm>>
      tpu.wait_dma2 semaphore(%run_scoped3A : memref<!tpu.dma_semaphore, #tpu.memory_space<semaphore_mem>>) src(%arg10 : memref<3x256xf32, #tpu.memory_space<vmem>>) dst(%dma_wait3A_810 : memref<3x256xf32, #tpu.memory_space<hbm>>)
      tpu.yield
    }) : () -> ()
    "tpu.region"() ({
      %run_scoped3A = tpu.sem_alloc : memref<!tpu.dma_semaphore, #tpu.memory_space<semaphore_mem>>
      %dma_start3A = arith.constant 0 : i32
      %dma_start3A_797 = arith.constant 0 : i32
      %dma_start3A_798 = tpu.memref_slice %arg6[%add3A, %dma_start3A, %dma_start3A_797] : memref<32x3x256xf32, #tpu.memory_space<hbm>> -> memref<1x3x256xf32, #tpu.memory_space<hbm>>
      %dma_start3A_799 = tpu.memref_squeeze %dma_start3A_798 : memref<1x3x256xf32, #tpu.memory_space<hbm>> -> memref<3x256xf32, #tpu.memory_space<hbm>>
      %dma_start3A_800 = arith.constant 0 : i32
      %dma_start3A_801 = arith.constant 0 : i32
      %dma_start3A_802 = tpu.memref_slice %arg6[%add3A, %dma_start3A_800, %dma_start3A_801] : memref<32x3x256xf32, #tpu.memory_space<hbm>> -> memref<1x3x256xf32, #tpu.memory_space<hbm>>
      %dma_start3A_803 = tpu.memref_squeeze %dma_start3A_802 : memref<1x3x256xf32, #tpu.memory_space<hbm>> -> memref<3x256xf32, #tpu.memory_space<hbm>>
      tpu.enqueue_dma source(%arg11 : memref<3x256xf32, #tpu.memory_space<vmem>>) target(%dma_start3A_803 : memref<3x256xf32, #tpu.memory_space<hbm>>) target_semaphore(%run_scoped3A : memref<!tpu.dma_semaphore, #tpu.memory_space<semaphore_mem>>)
      %dma_wait3A = arith.constant 0 : i32
      %dma_wait3A_804 = arith.constant 0 : i32
      %dma_wait3A_805 = tpu.memref_slice %arg6[%add3A, %dma_wait3A, %dma_wait3A_804] : memref<32x3x256xf32, #tpu.memory_space<hbm>> -> memref<1x3x256xf32, #tpu.memory_space<hbm>>
      %dma_wait3A_806 = tpu.memref_squeeze %dma_wait3A_805 : memref<1x3x256xf32, #tpu.memory_space<hbm>> -> memref<3x256xf32, #tpu.memory_space<hbm>>
      %dma_wait3A_807 = arith.constant 0 : i32
      %dma_wait3A_808 = arith.constant 0 : i32
      %dma_wait3A_809 = tpu.memref_slice %arg6[%add3A, %dma_wait3A_807, %dma_wait3A_808] : memref<32x3x256xf32, #tpu.memory_space<hbm>> -> memref<1x3x256xf32, #tpu.memory_space<hbm>>
      %dma_wait3A_810 = tpu.memref_squeeze %dma_wait3A_809 : memref<1x3x256xf32, #tpu.memory_space<hbm>> -> memref<3x256xf32, #tpu.memory_space<hbm>>
      tpu.wait_dma2 semaphore(%run_scoped3A : memref<!tpu.dma_semaphore, #tpu.memory_space<semaphore_mem>>) src(%arg11 : memref<3x256xf32, #tpu.memory_space<vmem>>) dst(%dma_wait3A_810 : memref<3x256xf32, #tpu.memory_space<hbm>>)
      tpu.yield
    }) : () -> ()
    return
  }
}

module attributes {stable_mosaic.version = 14 : i64} {
  func.func @_top2_body(%arg0: i32, %arg1: i32, %arg2: memref<1x2048x3xf32, #tpu.memory_space<vmem>>, %arg3: memref<1x8x2048xf32, #tpu.memory_space<vmem>>, %arg4: memref<1x2048x1xi32, #tpu.memory_space<vmem>>, %arg5: memref<1x2048x1xi32, #tpu.memory_space<vmem>>, %arg6: memref<1x2048x1xi32, #tpu.memory_space<vmem>>, %arg7: memref<1x2048x1xi32, #tpu.memory_space<vmem>>) attributes {dimension_semantics = [#tpu.dimension_semantics<arbitrary>, #tpu.dimension_semantics<arbitrary>], iteration_bounds = array<i64: 4, 1>, scalar_prefetch = 0 : i64, scratch_operands = 0 : i64, tpu.core_type = #tpu.core_type<tc>, window_params = [{transform_indices = @transform_0, window_bounds = array<i64: 1, 2048, 3>}, {transform_indices = @transform_1, window_bounds = array<i64: 1, 8, 2048>}, {transform_indices = @transform_2, window_bounds = array<i64: 1, 2048, 1>}, {transform_indices = @transform_3, window_bounds = array<i64: 1, 2048, 1>}, {transform_indices = @transform_4, window_bounds = array<i64: 1, 2048, 1>}, {transform_indices = @transform_5, window_bounds = array<i64: 1, 2048, 1>}]} {
    %get3A = arith.constant 0 : index
    %get3A_0 = arith.constant 0 : index
    %get3A_1 = arith.constant 0 : index
    %get3A_2 = vector.load %arg2[%get3A, %get3A_0, %get3A_1] : memref<1x2048x3xf32, #tpu.memory_space<vmem>>, vector<1x2048x1xf32>
    %get3A_3 = vector.shape_cast %get3A_2 : vector<1x2048x1xf32> to vector<2048x1xf32>
    %get3A_4 = arith.constant 0 : index
    %get3A_5 = arith.constant 0 : index
    %get3A_6 = arith.constant 1 : index
    %get3A_7 = vector.load %arg2[%get3A_4, %get3A_5, %get3A_6] : memref<1x2048x3xf32, #tpu.memory_space<vmem>>, vector<1x2048x1xf32>
    %get3A_8 = vector.shape_cast %get3A_7 : vector<1x2048x1xf32> to vector<2048x1xf32>
    %get3A_9 = arith.constant 0 : index
    %get3A_10 = arith.constant 0 : index
    %get3A_11 = arith.constant 2 : index
    %get3A_12 = vector.load %arg2[%get3A_9, %get3A_10, %get3A_11] : memref<1x2048x3xf32, #tpu.memory_space<vmem>>, vector<1x2048x1xf32>
    %get3A_13 = vector.shape_cast %get3A_12 : vector<1x2048x1xf32> to vector<2048x1xf32>
    %iota3A = tpu.iota {dimensions = array<i32: 1>} : vector<2048x128xi32>
    %iota3A_14 = tpu.iota {dimensions = array<i32: 0>} : vector<2048x128xi32>
    %mul3A = arith.constant 2048 : i32
    %mul3A_15 = arith.muli %arg1, %mul3A : i32
    %add3A = vector.broadcast %mul3A_15 : i32 to vector<2048x128xi32>
    %add3A_16 = arith.addi %iota3A_14, %add3A : vector<2048x128xi32>
    %sub3A = arith.subi %add3A_16, %iota3A : vector<2048x128xi32>
    %broadcast_in_dim3A = arith.constant 0x7F800000 : f32
    %broadcast_in_dim3A_17 = vector.broadcast %broadcast_in_dim3A : f32 to vector<2048x128xf32>
    %broadcast_in_dim3A_18 = arith.constant 0x7F800000 : f32
    %broadcast_in_dim3A_19 = vector.broadcast %broadcast_in_dim3A_18 : f32 to vector<2048x128xf32>
    %broadcast_in_dim3A_20 = arith.constant 16 : i32
    %broadcast_in_dim3A_21 = vector.broadcast %broadcast_in_dim3A_20 : i32 to vector<2048x128xi32>
    %broadcast_in_dim3A_22 = arith.constant 16 : i32
    %broadcast_in_dim3A_23 = vector.broadcast %broadcast_in_dim3A_22 : i32 to vector<2048x128xi32>
    %get3A_24 = arith.constant 0 : index
    %get3A_25 = arith.constant 0 : index
    %get3A_26 = arith.constant 0 : index
    %get3A_27 = vector.load %arg3[%get3A_24, %get3A_25, %get3A_26] : memref<1x8x2048xf32, #tpu.memory_space<vmem>>, vector<1x1x128xf32>
    %get3A_28 = vector.shape_cast %get3A_27 : vector<1x1x128xf32> to vector<1x128xf32>
    %get3A_29 = arith.constant 0 : index
    %get3A_30 = arith.constant 1 : index
    %get3A_31 = arith.constant 0 : index
    %get3A_32 = vector.load %arg3[%get3A_29, %get3A_30, %get3A_31] : memref<1x8x2048xf32, #tpu.memory_space<vmem>>, vector<1x1x128xf32>
    %get3A_33 = vector.shape_cast %get3A_32 : vector<1x1x128xf32> to vector<1x128xf32>
    %get3A_34 = arith.constant 0 : index
    %get3A_35 = arith.constant 2 : index
    %get3A_36 = arith.constant 0 : index
    %get3A_37 = vector.load %arg3[%get3A_34, %get3A_35, %get3A_36] : memref<1x8x2048xf32, #tpu.memory_space<vmem>>, vector<1x1x128xf32>
    %get3A_38 = vector.shape_cast %get3A_37 : vector<1x1x128xf32> to vector<1x128xf32>
    %sub3A_39 = vector.broadcast %get3A_3 : vector<2048x1xf32> to vector<2048x128xf32>
    %sub3A_40 = vector.broadcast %get3A_28 : vector<1x128xf32> to vector<2048x128xf32>
    %sub3A_41 = arith.subf %sub3A_39, %sub3A_40 : vector<2048x128xf32>
    %mul3A_42 = arith.mulf %sub3A_41, %sub3A_41 : vector<2048x128xf32>
    %sub3A_43 = vector.broadcast %get3A_8 : vector<2048x1xf32> to vector<2048x128xf32>
    %sub3A_44 = vector.broadcast %get3A_33 : vector<1x128xf32> to vector<2048x128xf32>
    %sub3A_45 = arith.subf %sub3A_43, %sub3A_44 : vector<2048x128xf32>
    %mul3A_46 = arith.mulf %sub3A_45, %sub3A_45 : vector<2048x128xf32>
    %add3A_47 = arith.addf %mul3A_42, %mul3A_46 : vector<2048x128xf32>
    %sub3A_48 = vector.broadcast %get3A_13 : vector<2048x1xf32> to vector<2048x128xf32>
    %sub3A_49 = vector.broadcast %get3A_38 : vector<1x128xf32> to vector<2048x128xf32>
    %sub3A_50 = arith.subf %sub3A_48, %sub3A_49 : vector<2048x128xf32>
    %mul3A_51 = arith.mulf %sub3A_50, %sub3A_50 : vector<2048x128xf32>
    %add3A_52 = arith.addf %add3A_47, %mul3A_51 : vector<2048x128xf32>
    %sqrt3A = math.sqrt %add3A_52 : vector<2048x128xf32>
    %eq3A = arith.constant 0 : i32
    %eq3A_53 = vector.broadcast %eq3A : i32 to vector<2048x128xi32>
    %eq3A_54 = arith.cmpi eq, %sub3A, %eq3A_53 : vector<2048x128xi32>
    %jit3A = arith.constant 1.000000e+09 : f32
    %broadcast_in_dim3A_55 = vector.broadcast %jit3A : f32 to vector<2048x128xf32>
    %select_n3A = arith.select %eq3A_54, %broadcast_in_dim3A_55, %sqrt3A : vector<2048x128xi1>, vector<2048x128xf32>
    %lt3A = arith.cmpf olt, %select_n3A, %broadcast_in_dim3A_17 : vector<2048x128xf32>
    %lt3A_56 = arith.cmpf olt, %select_n3A, %broadcast_in_dim3A_19 : vector<2048x128xf32>
    %select_n3A_57 = arith.select %lt3A_56, %select_n3A, %broadcast_in_dim3A_19 : vector<2048x128xi1>, vector<2048x128xf32>
    %jit3A_58 = arith.constant 0 : i32
    %broadcast_in_dim3A_59 = vector.broadcast %jit3A_58 : i32 to vector<2048x128xi32>
    %select_n3A_60 = arith.select %lt3A_56, %broadcast_in_dim3A_59, %broadcast_in_dim3A_23 : vector<2048x128xi1>, vector<2048x128xi32>
    %select_n3A_61 = arith.select %lt3A, %broadcast_in_dim3A_17, %select_n3A_57 : vector<2048x128xi1>, vector<2048x128xf32>
    %select_n3A_62 = arith.select %lt3A, %broadcast_in_dim3A_21, %select_n3A_60 : vector<2048x128xi1>, vector<2048x128xi32>
    %select_n3A_63 = arith.select %lt3A, %select_n3A, %broadcast_in_dim3A_17 : vector<2048x128xi1>, vector<2048x128xf32>
    %jit3A_64 = arith.constant 0 : i32
    %broadcast_in_dim3A_65 = vector.broadcast %jit3A_64 : i32 to vector<2048x128xi32>
    %select_n3A_66 = arith.select %lt3A, %broadcast_in_dim3A_65, %broadcast_in_dim3A_21 : vector<2048x128xi1>, vector<2048x128xi32>
    %get3A_67 = arith.constant 0 : index
    %get3A_68 = arith.constant 0 : index
    %get3A_69 = arith.constant 128 : index
    %get3A_70 = vector.load %arg3[%get3A_67, %get3A_68, %get3A_69] : memref<1x8x2048xf32, #tpu.memory_space<vmem>>, vector<1x1x128xf32>
    %get3A_71 = vector.shape_cast %get3A_70 : vector<1x1x128xf32> to vector<1x128xf32>
    %get3A_72 = arith.constant 0 : index
    %get3A_73 = arith.constant 1 : index
    %get3A_74 = arith.constant 128 : index
    %get3A_75 = vector.load %arg3[%get3A_72, %get3A_73, %get3A_74] : memref<1x8x2048xf32, #tpu.memory_space<vmem>>, vector<1x1x128xf32>
    %get3A_76 = vector.shape_cast %get3A_75 : vector<1x1x128xf32> to vector<1x128xf32>
    %get3A_77 = arith.constant 0 : index
    %get3A_78 = arith.constant 2 : index
    %get3A_79 = arith.constant 128 : index
    %get3A_80 = vector.load %arg3[%get3A_77, %get3A_78, %get3A_79] : memref<1x8x2048xf32, #tpu.memory_space<vmem>>, vector<1x1x128xf32>
    %get3A_81 = vector.shape_cast %get3A_80 : vector<1x1x128xf32> to vector<1x128xf32>
    %sub3A_82 = vector.broadcast %get3A_3 : vector<2048x1xf32> to vector<2048x128xf32>
    %sub3A_83 = vector.broadcast %get3A_71 : vector<1x128xf32> to vector<2048x128xf32>
    %sub3A_84 = arith.subf %sub3A_82, %sub3A_83 : vector<2048x128xf32>
    %mul3A_85 = arith.mulf %sub3A_84, %sub3A_84 : vector<2048x128xf32>
    %sub3A_86 = vector.broadcast %get3A_8 : vector<2048x1xf32> to vector<2048x128xf32>
    %sub3A_87 = vector.broadcast %get3A_76 : vector<1x128xf32> to vector<2048x128xf32>
    %sub3A_88 = arith.subf %sub3A_86, %sub3A_87 : vector<2048x128xf32>
    %mul3A_89 = arith.mulf %sub3A_88, %sub3A_88 : vector<2048x128xf32>
    %add3A_90 = arith.addf %mul3A_85, %mul3A_89 : vector<2048x128xf32>
    %sub3A_91 = vector.broadcast %get3A_13 : vector<2048x1xf32> to vector<2048x128xf32>
    %sub3A_92 = vector.broadcast %get3A_81 : vector<1x128xf32> to vector<2048x128xf32>
    %sub3A_93 = arith.subf %sub3A_91, %sub3A_92 : vector<2048x128xf32>
    %mul3A_94 = arith.mulf %sub3A_93, %sub3A_93 : vector<2048x128xf32>
    %add3A_95 = arith.addf %add3A_90, %mul3A_94 : vector<2048x128xf32>
    %sqrt3A_96 = math.sqrt %add3A_95 : vector<2048x128xf32>
    %eq3A_97 = arith.constant 128 : i32
    %eq3A_98 = vector.broadcast %eq3A_97 : i32 to vector<2048x128xi32>
    %eq3A_99 = arith.cmpi eq, %sub3A, %eq3A_98 : vector<2048x128xi32>
    %jit3A_100 = arith.constant 1.000000e+09 : f32
    %broadcast_in_dim3A_101 = vector.broadcast %jit3A_100 : f32 to vector<2048x128xf32>
    %select_n3A_102 = arith.select %eq3A_99, %broadcast_in_dim3A_101, %sqrt3A_96 : vector<2048x128xi1>, vector<2048x128xf32>
    %lt3A_103 = arith.cmpf olt, %select_n3A_102, %select_n3A_63 : vector<2048x128xf32>
    %lt3A_104 = arith.cmpf olt, %select_n3A_102, %select_n3A_61 : vector<2048x128xf32>
    %select_n3A_105 = arith.select %lt3A_104, %select_n3A_102, %select_n3A_61 : vector<2048x128xi1>, vector<2048x128xf32>
    %jit3A_106 = arith.constant 1 : i32
    %broadcast_in_dim3A_107 = vector.broadcast %jit3A_106 : i32 to vector<2048x128xi32>
    %select_n3A_108 = arith.select %lt3A_104, %broadcast_in_dim3A_107, %select_n3A_62 : vector<2048x128xi1>, vector<2048x128xi32>
    %select_n3A_109 = arith.select %lt3A_103, %select_n3A_63, %select_n3A_105 : vector<2048x128xi1>, vector<2048x128xf32>
    %select_n3A_110 = arith.select %lt3A_103, %select_n3A_66, %select_n3A_108 : vector<2048x128xi1>, vector<2048x128xi32>
    %select_n3A_111 = arith.select %lt3A_103, %select_n3A_102, %select_n3A_63 : vector<2048x128xi1>, vector<2048x128xf32>
    %jit3A_112 = arith.constant 1 : i32
    %broadcast_in_dim3A_113 = vector.broadcast %jit3A_112 : i32 to vector<2048x128xi32>
    %select_n3A_114 = arith.select %lt3A_103, %broadcast_in_dim3A_113, %select_n3A_66 : vector<2048x128xi1>, vector<2048x128xi32>
    %get3A_115 = arith.constant 0 : index
    %get3A_116 = arith.constant 0 : index
    %get3A_117 = arith.constant 256 : index
    %get3A_118 = vector.load %arg3[%get3A_115, %get3A_116, %get3A_117] : memref<1x8x2048xf32, #tpu.memory_space<vmem>>, vector<1x1x128xf32>
    %get3A_119 = vector.shape_cast %get3A_118 : vector<1x1x128xf32> to vector<1x128xf32>
    %get3A_120 = arith.constant 0 : index
    %get3A_121 = arith.constant 1 : index
    %get3A_122 = arith.constant 256 : index
    %get3A_123 = vector.load %arg3[%get3A_120, %get3A_121, %get3A_122] : memref<1x8x2048xf32, #tpu.memory_space<vmem>>, vector<1x1x128xf32>
    %get3A_124 = vector.shape_cast %get3A_123 : vector<1x1x128xf32> to vector<1x128xf32>
    %get3A_125 = arith.constant 0 : index
    %get3A_126 = arith.constant 2 : index
    %get3A_127 = arith.constant 256 : index
    %get3A_128 = vector.load %arg3[%get3A_125, %get3A_126, %get3A_127] : memref<1x8x2048xf32, #tpu.memory_space<vmem>>, vector<1x1x128xf32>
    %get3A_129 = vector.shape_cast %get3A_128 : vector<1x1x128xf32> to vector<1x128xf32>
    %sub3A_130 = vector.broadcast %get3A_3 : vector<2048x1xf32> to vector<2048x128xf32>
    %sub3A_131 = vector.broadcast %get3A_119 : vector<1x128xf32> to vector<2048x128xf32>
    %sub3A_132 = arith.subf %sub3A_130, %sub3A_131 : vector<2048x128xf32>
    %mul3A_133 = arith.mulf %sub3A_132, %sub3A_132 : vector<2048x128xf32>
    %sub3A_134 = vector.broadcast %get3A_8 : vector<2048x1xf32> to vector<2048x128xf32>
    %sub3A_135 = vector.broadcast %get3A_124 : vector<1x128xf32> to vector<2048x128xf32>
    %sub3A_136 = arith.subf %sub3A_134, %sub3A_135 : vector<2048x128xf32>
    %mul3A_137 = arith.mulf %sub3A_136, %sub3A_136 : vector<2048x128xf32>
    %add3A_138 = arith.addf %mul3A_133, %mul3A_137 : vector<2048x128xf32>
    %sub3A_139 = vector.broadcast %get3A_13 : vector<2048x1xf32> to vector<2048x128xf32>
    %sub3A_140 = vector.broadcast %get3A_129 : vector<1x128xf32> to vector<2048x128xf32>
    %sub3A_141 = arith.subf %sub3A_139, %sub3A_140 : vector<2048x128xf32>
    %mul3A_142 = arith.mulf %sub3A_141, %sub3A_141 : vector<2048x128xf32>
    %add3A_143 = arith.addf %add3A_138, %mul3A_142 : vector<2048x128xf32>
    %sqrt3A_144 = math.sqrt %add3A_143 : vector<2048x128xf32>
    %eq3A_145 = arith.constant 256 : i32
    %eq3A_146 = vector.broadcast %eq3A_145 : i32 to vector<2048x128xi32>
    %eq3A_147 = arith.cmpi eq, %sub3A, %eq3A_146 : vector<2048x128xi32>
    %jit3A_148 = arith.constant 1.000000e+09 : f32
    %broadcast_in_dim3A_149 = vector.broadcast %jit3A_148 : f32 to vector<2048x128xf32>
    %select_n3A_150 = arith.select %eq3A_147, %broadcast_in_dim3A_149, %sqrt3A_144 : vector<2048x128xi1>, vector<2048x128xf32>
    %lt3A_151 = arith.cmpf olt, %select_n3A_150, %select_n3A_111 : vector<2048x128xf32>
    %lt3A_152 = arith.cmpf olt, %select_n3A_150, %select_n3A_109 : vector<2048x128xf32>
    %select_n3A_153 = arith.select %lt3A_152, %select_n3A_150, %select_n3A_109 : vector<2048x128xi1>, vector<2048x128xf32>
    %jit3A_154 = arith.constant 2 : i32
    %broadcast_in_dim3A_155 = vector.broadcast %jit3A_154 : i32 to vector<2048x128xi32>
    %select_n3A_156 = arith.select %lt3A_152, %broadcast_in_dim3A_155, %select_n3A_110 : vector<2048x128xi1>, vector<2048x128xi32>
    %select_n3A_157 = arith.select %lt3A_151, %select_n3A_111, %select_n3A_153 : vector<2048x128xi1>, vector<2048x128xf32>
    %select_n3A_158 = arith.select %lt3A_151, %select_n3A_114, %select_n3A_156 : vector<2048x128xi1>, vector<2048x128xi32>
    %select_n3A_159 = arith.select %lt3A_151, %select_n3A_150, %select_n3A_111 : vector<2048x128xi1>, vector<2048x128xf32>
    %jit3A_160 = arith.constant 2 : i32
    %broadcast_in_dim3A_161 = vector.broadcast %jit3A_160 : i32 to vector<2048x128xi32>
    %select_n3A_162 = arith.select %lt3A_151, %broadcast_in_dim3A_161, %select_n3A_114 : vector<2048x128xi1>, vector<2048x128xi32>
    %get3A_163 = arith.constant 0 : index
    %get3A_164 = arith.constant 0 : index
    %get3A_165 = arith.constant 384 : index
    %get3A_166 = vector.load %arg3[%get3A_163, %get3A_164, %get3A_165] : memref<1x8x2048xf32, #tpu.memory_space<vmem>>, vector<1x1x128xf32>
    %get3A_167 = vector.shape_cast %get3A_166 : vector<1x1x128xf32> to vector<1x128xf32>
    %get3A_168 = arith.constant 0 : index
    %get3A_169 = arith.constant 1 : index
    %get3A_170 = arith.constant 384 : index
    %get3A_171 = vector.load %arg3[%get3A_168, %get3A_169, %get3A_170] : memref<1x8x2048xf32, #tpu.memory_space<vmem>>, vector<1x1x128xf32>
    %get3A_172 = vector.shape_cast %get3A_171 : vector<1x1x128xf32> to vector<1x128xf32>
    %get3A_173 = arith.constant 0 : index
    %get3A_174 = arith.constant 2 : index
    %get3A_175 = arith.constant 384 : index
    %get3A_176 = vector.load %arg3[%get3A_173, %get3A_174, %get3A_175] : memref<1x8x2048xf32, #tpu.memory_space<vmem>>, vector<1x1x128xf32>
    %get3A_177 = vector.shape_cast %get3A_176 : vector<1x1x128xf32> to vector<1x128xf32>
    %sub3A_178 = vector.broadcast %get3A_3 : vector<2048x1xf32> to vector<2048x128xf32>
    %sub3A_179 = vector.broadcast %get3A_167 : vector<1x128xf32> to vector<2048x128xf32>
    %sub3A_180 = arith.subf %sub3A_178, %sub3A_179 : vector<2048x128xf32>
    %mul3A_181 = arith.mulf %sub3A_180, %sub3A_180 : vector<2048x128xf32>
    %sub3A_182 = vector.broadcast %get3A_8 : vector<2048x1xf32> to vector<2048x128xf32>
    %sub3A_183 = vector.broadcast %get3A_172 : vector<1x128xf32> to vector<2048x128xf32>
    %sub3A_184 = arith.subf %sub3A_182, %sub3A_183 : vector<2048x128xf32>
    %mul3A_185 = arith.mulf %sub3A_184, %sub3A_184 : vector<2048x128xf32>
    %add3A_186 = arith.addf %mul3A_181, %mul3A_185 : vector<2048x128xf32>
    %sub3A_187 = vector.broadcast %get3A_13 : vector<2048x1xf32> to vector<2048x128xf32>
    %sub3A_188 = vector.broadcast %get3A_177 : vector<1x128xf32> to vector<2048x128xf32>
    %sub3A_189 = arith.subf %sub3A_187, %sub3A_188 : vector<2048x128xf32>
    %mul3A_190 = arith.mulf %sub3A_189, %sub3A_189 : vector<2048x128xf32>
    %add3A_191 = arith.addf %add3A_186, %mul3A_190 : vector<2048x128xf32>
    %sqrt3A_192 = math.sqrt %add3A_191 : vector<2048x128xf32>
    %eq3A_193 = arith.constant 384 : i32
    %eq3A_194 = vector.broadcast %eq3A_193 : i32 to vector<2048x128xi32>
    %eq3A_195 = arith.cmpi eq, %sub3A, %eq3A_194 : vector<2048x128xi32>
    %jit3A_196 = arith.constant 1.000000e+09 : f32
    %broadcast_in_dim3A_197 = vector.broadcast %jit3A_196 : f32 to vector<2048x128xf32>
    %select_n3A_198 = arith.select %eq3A_195, %broadcast_in_dim3A_197, %sqrt3A_192 : vector<2048x128xi1>, vector<2048x128xf32>
    %lt3A_199 = arith.cmpf olt, %select_n3A_198, %select_n3A_159 : vector<2048x128xf32>
    %lt3A_200 = arith.cmpf olt, %select_n3A_198, %select_n3A_157 : vector<2048x128xf32>
    %select_n3A_201 = arith.select %lt3A_200, %select_n3A_198, %select_n3A_157 : vector<2048x128xi1>, vector<2048x128xf32>
    %jit3A_202 = arith.constant 3 : i32
    %broadcast_in_dim3A_203 = vector.broadcast %jit3A_202 : i32 to vector<2048x128xi32>
    %select_n3A_204 = arith.select %lt3A_200, %broadcast_in_dim3A_203, %select_n3A_158 : vector<2048x128xi1>, vector<2048x128xi32>
    %select_n3A_205 = arith.select %lt3A_199, %select_n3A_159, %select_n3A_201 : vector<2048x128xi1>, vector<2048x128xf32>
    %select_n3A_206 = arith.select %lt3A_199, %select_n3A_162, %select_n3A_204 : vector<2048x128xi1>, vector<2048x128xi32>
    %select_n3A_207 = arith.select %lt3A_199, %select_n3A_198, %select_n3A_159 : vector<2048x128xi1>, vector<2048x128xf32>
    %jit3A_208 = arith.constant 3 : i32
    %broadcast_in_dim3A_209 = vector.broadcast %jit3A_208 : i32 to vector<2048x128xi32>
    %select_n3A_210 = arith.select %lt3A_199, %broadcast_in_dim3A_209, %select_n3A_162 : vector<2048x128xi1>, vector<2048x128xi32>
    %get3A_211 = arith.constant 0 : index
    %get3A_212 = arith.constant 0 : index
    %get3A_213 = arith.constant 512 : index
    %get3A_214 = vector.load %arg3[%get3A_211, %get3A_212, %get3A_213] : memref<1x8x2048xf32, #tpu.memory_space<vmem>>, vector<1x1x128xf32>
    %get3A_215 = vector.shape_cast %get3A_214 : vector<1x1x128xf32> to vector<1x128xf32>
    %get3A_216 = arith.constant 0 : index
    %get3A_217 = arith.constant 1 : index
    %get3A_218 = arith.constant 512 : index
    %get3A_219 = vector.load %arg3[%get3A_216, %get3A_217, %get3A_218] : memref<1x8x2048xf32, #tpu.memory_space<vmem>>, vector<1x1x128xf32>
    %get3A_220 = vector.shape_cast %get3A_219 : vector<1x1x128xf32> to vector<1x128xf32>
    %get3A_221 = arith.constant 0 : index
    %get3A_222 = arith.constant 2 : index
    %get3A_223 = arith.constant 512 : index
    %get3A_224 = vector.load %arg3[%get3A_221, %get3A_222, %get3A_223] : memref<1x8x2048xf32, #tpu.memory_space<vmem>>, vector<1x1x128xf32>
    %get3A_225 = vector.shape_cast %get3A_224 : vector<1x1x128xf32> to vector<1x128xf32>
    %sub3A_226 = vector.broadcast %get3A_3 : vector<2048x1xf32> to vector<2048x128xf32>
    %sub3A_227 = vector.broadcast %get3A_215 : vector<1x128xf32> to vector<2048x128xf32>
    %sub3A_228 = arith.subf %sub3A_226, %sub3A_227 : vector<2048x128xf32>
    %mul3A_229 = arith.mulf %sub3A_228, %sub3A_228 : vector<2048x128xf32>
    %sub3A_230 = vector.broadcast %get3A_8 : vector<2048x1xf32> to vector<2048x128xf32>
    %sub3A_231 = vector.broadcast %get3A_220 : vector<1x128xf32> to vector<2048x128xf32>
    %sub3A_232 = arith.subf %sub3A_230, %sub3A_231 : vector<2048x128xf32>
    %mul3A_233 = arith.mulf %sub3A_232, %sub3A_232 : vector<2048x128xf32>
    %add3A_234 = arith.addf %mul3A_229, %mul3A_233 : vector<2048x128xf32>
    %sub3A_235 = vector.broadcast %get3A_13 : vector<2048x1xf32> to vector<2048x128xf32>
    %sub3A_236 = vector.broadcast %get3A_225 : vector<1x128xf32> to vector<2048x128xf32>
    %sub3A_237 = arith.subf %sub3A_235, %sub3A_236 : vector<2048x128xf32>
    %mul3A_238 = arith.mulf %sub3A_237, %sub3A_237 : vector<2048x128xf32>
    %add3A_239 = arith.addf %add3A_234, %mul3A_238 : vector<2048x128xf32>
    %sqrt3A_240 = math.sqrt %add3A_239 : vector<2048x128xf32>
    %eq3A_241 = arith.constant 512 : i32
    %eq3A_242 = vector.broadcast %eq3A_241 : i32 to vector<2048x128xi32>
    %eq3A_243 = arith.cmpi eq, %sub3A, %eq3A_242 : vector<2048x128xi32>
    %jit3A_244 = arith.constant 1.000000e+09 : f32
    %broadcast_in_dim3A_245 = vector.broadcast %jit3A_244 : f32 to vector<2048x128xf32>
    %select_n3A_246 = arith.select %eq3A_243, %broadcast_in_dim3A_245, %sqrt3A_240 : vector<2048x128xi1>, vector<2048x128xf32>
    %lt3A_247 = arith.cmpf olt, %select_n3A_246, %select_n3A_207 : vector<2048x128xf32>
    %lt3A_248 = arith.cmpf olt, %select_n3A_246, %select_n3A_205 : vector<2048x128xf32>
    %select_n3A_249 = arith.select %lt3A_248, %select_n3A_246, %select_n3A_205 : vector<2048x128xi1>, vector<2048x128xf32>
    %jit3A_250 = arith.constant 4 : i32
    %broadcast_in_dim3A_251 = vector.broadcast %jit3A_250 : i32 to vector<2048x128xi32>
    %select_n3A_252 = arith.select %lt3A_248, %broadcast_in_dim3A_251, %select_n3A_206 : vector<2048x128xi1>, vector<2048x128xi32>
    %select_n3A_253 = arith.select %lt3A_247, %select_n3A_207, %select_n3A_249 : vector<2048x128xi1>, vector<2048x128xf32>
    %select_n3A_254 = arith.select %lt3A_247, %select_n3A_210, %select_n3A_252 : vector<2048x128xi1>, vector<2048x128xi32>
    %select_n3A_255 = arith.select %lt3A_247, %select_n3A_246, %select_n3A_207 : vector<2048x128xi1>, vector<2048x128xf32>
    %jit3A_256 = arith.constant 4 : i32
    %broadcast_in_dim3A_257 = vector.broadcast %jit3A_256 : i32 to vector<2048x128xi32>
    %select_n3A_258 = arith.select %lt3A_247, %broadcast_in_dim3A_257, %select_n3A_210 : vector<2048x128xi1>, vector<2048x128xi32>
    %get3A_259 = arith.constant 0 : index
    %get3A_260 = arith.constant 0 : index
    %get3A_261 = arith.constant 640 : index
    %get3A_262 = vector.load %arg3[%get3A_259, %get3A_260, %get3A_261] : memref<1x8x2048xf32, #tpu.memory_space<vmem>>, vector<1x1x128xf32>
    %get3A_263 = vector.shape_cast %get3A_262 : vector<1x1x128xf32> to vector<1x128xf32>
    %get3A_264 = arith.constant 0 : index
    %get3A_265 = arith.constant 1 : index
    %get3A_266 = arith.constant 640 : index
    %get3A_267 = vector.load %arg3[%get3A_264, %get3A_265, %get3A_266] : memref<1x8x2048xf32, #tpu.memory_space<vmem>>, vector<1x1x128xf32>
    %get3A_268 = vector.shape_cast %get3A_267 : vector<1x1x128xf32> to vector<1x128xf32>
    %get3A_269 = arith.constant 0 : index
    %get3A_270 = arith.constant 2 : index
    %get3A_271 = arith.constant 640 : index
    %get3A_272 = vector.load %arg3[%get3A_269, %get3A_270, %get3A_271] : memref<1x8x2048xf32, #tpu.memory_space<vmem>>, vector<1x1x128xf32>
    %get3A_273 = vector.shape_cast %get3A_272 : vector<1x1x128xf32> to vector<1x128xf32>
    %sub3A_274 = vector.broadcast %get3A_3 : vector<2048x1xf32> to vector<2048x128xf32>
    %sub3A_275 = vector.broadcast %get3A_263 : vector<1x128xf32> to vector<2048x128xf32>
    %sub3A_276 = arith.subf %sub3A_274, %sub3A_275 : vector<2048x128xf32>
    %mul3A_277 = arith.mulf %sub3A_276, %sub3A_276 : vector<2048x128xf32>
    %sub3A_278 = vector.broadcast %get3A_8 : vector<2048x1xf32> to vector<2048x128xf32>
    %sub3A_279 = vector.broadcast %get3A_268 : vector<1x128xf32> to vector<2048x128xf32>
    %sub3A_280 = arith.subf %sub3A_278, %sub3A_279 : vector<2048x128xf32>
    %mul3A_281 = arith.mulf %sub3A_280, %sub3A_280 : vector<2048x128xf32>
    %add3A_282 = arith.addf %mul3A_277, %mul3A_281 : vector<2048x128xf32>
    %sub3A_283 = vector.broadcast %get3A_13 : vector<2048x1xf32> to vector<2048x128xf32>
    %sub3A_284 = vector.broadcast %get3A_273 : vector<1x128xf32> to vector<2048x128xf32>
    %sub3A_285 = arith.subf %sub3A_283, %sub3A_284 : vector<2048x128xf32>
    %mul3A_286 = arith.mulf %sub3A_285, %sub3A_285 : vector<2048x128xf32>
    %add3A_287 = arith.addf %add3A_282, %mul3A_286 : vector<2048x128xf32>
    %sqrt3A_288 = math.sqrt %add3A_287 : vector<2048x128xf32>
    %eq3A_289 = arith.constant 640 : i32
    %eq3A_290 = vector.broadcast %eq3A_289 : i32 to vector<2048x128xi32>
    %eq3A_291 = arith.cmpi eq, %sub3A, %eq3A_290 : vector<2048x128xi32>
    %jit3A_292 = arith.constant 1.000000e+09 : f32
    %broadcast_in_dim3A_293 = vector.broadcast %jit3A_292 : f32 to vector<2048x128xf32>
    %select_n3A_294 = arith.select %eq3A_291, %broadcast_in_dim3A_293, %sqrt3A_288 : vector<2048x128xi1>, vector<2048x128xf32>
    %lt3A_295 = arith.cmpf olt, %select_n3A_294, %select_n3A_255 : vector<2048x128xf32>
    %lt3A_296 = arith.cmpf olt, %select_n3A_294, %select_n3A_253 : vector<2048x128xf32>
    %select_n3A_297 = arith.select %lt3A_296, %select_n3A_294, %select_n3A_253 : vector<2048x128xi1>, vector<2048x128xf32>
    %jit3A_298 = arith.constant 5 : i32
    %broadcast_in_dim3A_299 = vector.broadcast %jit3A_298 : i32 to vector<2048x128xi32>
    %select_n3A_300 = arith.select %lt3A_296, %broadcast_in_dim3A_299, %select_n3A_254 : vector<2048x128xi1>, vector<2048x128xi32>
    %select_n3A_301 = arith.select %lt3A_295, %select_n3A_255, %select_n3A_297 : vector<2048x128xi1>, vector<2048x128xf32>
    %select_n3A_302 = arith.select %lt3A_295, %select_n3A_258, %select_n3A_300 : vector<2048x128xi1>, vector<2048x128xi32>
    %select_n3A_303 = arith.select %lt3A_295, %select_n3A_294, %select_n3A_255 : vector<2048x128xi1>, vector<2048x128xf32>
    %jit3A_304 = arith.constant 5 : i32
    %broadcast_in_dim3A_305 = vector.broadcast %jit3A_304 : i32 to vector<2048x128xi32>
    %select_n3A_306 = arith.select %lt3A_295, %broadcast_in_dim3A_305, %select_n3A_258 : vector<2048x128xi1>, vector<2048x128xi32>
    %get3A_307 = arith.constant 0 : index
    %get3A_308 = arith.constant 0 : index
    %get3A_309 = arith.constant 768 : index
    %get3A_310 = vector.load %arg3[%get3A_307, %get3A_308, %get3A_309] : memref<1x8x2048xf32, #tpu.memory_space<vmem>>, vector<1x1x128xf32>
    %get3A_311 = vector.shape_cast %get3A_310 : vector<1x1x128xf32> to vector<1x128xf32>
    %get3A_312 = arith.constant 0 : index
    %get3A_313 = arith.constant 1 : index
    %get3A_314 = arith.constant 768 : index
    %get3A_315 = vector.load %arg3[%get3A_312, %get3A_313, %get3A_314] : memref<1x8x2048xf32, #tpu.memory_space<vmem>>, vector<1x1x128xf32>
    %get3A_316 = vector.shape_cast %get3A_315 : vector<1x1x128xf32> to vector<1x128xf32>
    %get3A_317 = arith.constant 0 : index
    %get3A_318 = arith.constant 2 : index
    %get3A_319 = arith.constant 768 : index
    %get3A_320 = vector.load %arg3[%get3A_317, %get3A_318, %get3A_319] : memref<1x8x2048xf32, #tpu.memory_space<vmem>>, vector<1x1x128xf32>
    %get3A_321 = vector.shape_cast %get3A_320 : vector<1x1x128xf32> to vector<1x128xf32>
    %sub3A_322 = vector.broadcast %get3A_3 : vector<2048x1xf32> to vector<2048x128xf32>
    %sub3A_323 = vector.broadcast %get3A_311 : vector<1x128xf32> to vector<2048x128xf32>
    %sub3A_324 = arith.subf %sub3A_322, %sub3A_323 : vector<2048x128xf32>
    %mul3A_325 = arith.mulf %sub3A_324, %sub3A_324 : vector<2048x128xf32>
    %sub3A_326 = vector.broadcast %get3A_8 : vector<2048x1xf32> to vector<2048x128xf32>
    %sub3A_327 = vector.broadcast %get3A_316 : vector<1x128xf32> to vector<2048x128xf32>
    %sub3A_328 = arith.subf %sub3A_326, %sub3A_327 : vector<2048x128xf32>
    %mul3A_329 = arith.mulf %sub3A_328, %sub3A_328 : vector<2048x128xf32>
    %add3A_330 = arith.addf %mul3A_325, %mul3A_329 : vector<2048x128xf32>
    %sub3A_331 = vector.broadcast %get3A_13 : vector<2048x1xf32> to vector<2048x128xf32>
    %sub3A_332 = vector.broadcast %get3A_321 : vector<1x128xf32> to vector<2048x128xf32>
    %sub3A_333 = arith.subf %sub3A_331, %sub3A_332 : vector<2048x128xf32>
    %mul3A_334 = arith.mulf %sub3A_333, %sub3A_333 : vector<2048x128xf32>
    %add3A_335 = arith.addf %add3A_330, %mul3A_334 : vector<2048x128xf32>
    %sqrt3A_336 = math.sqrt %add3A_335 : vector<2048x128xf32>
    %eq3A_337 = arith.constant 768 : i32
    %eq3A_338 = vector.broadcast %eq3A_337 : i32 to vector<2048x128xi32>
    %eq3A_339 = arith.cmpi eq, %sub3A, %eq3A_338 : vector<2048x128xi32>
    %jit3A_340 = arith.constant 1.000000e+09 : f32
    %broadcast_in_dim3A_341 = vector.broadcast %jit3A_340 : f32 to vector<2048x128xf32>
    %select_n3A_342 = arith.select %eq3A_339, %broadcast_in_dim3A_341, %sqrt3A_336 : vector<2048x128xi1>, vector<2048x128xf32>
    %lt3A_343 = arith.cmpf olt, %select_n3A_342, %select_n3A_303 : vector<2048x128xf32>
    %lt3A_344 = arith.cmpf olt, %select_n3A_342, %select_n3A_301 : vector<2048x128xf32>
    %select_n3A_345 = arith.select %lt3A_344, %select_n3A_342, %select_n3A_301 : vector<2048x128xi1>, vector<2048x128xf32>
    %jit3A_346 = arith.constant 6 : i32
    %broadcast_in_dim3A_347 = vector.broadcast %jit3A_346 : i32 to vector<2048x128xi32>
    %select_n3A_348 = arith.select %lt3A_344, %broadcast_in_dim3A_347, %select_n3A_302 : vector<2048x128xi1>, vector<2048x128xi32>
    %select_n3A_349 = arith.select %lt3A_343, %select_n3A_303, %select_n3A_345 : vector<2048x128xi1>, vector<2048x128xf32>
    %select_n3A_350 = arith.select %lt3A_343, %select_n3A_306, %select_n3A_348 : vector<2048x128xi1>, vector<2048x128xi32>
    %select_n3A_351 = arith.select %lt3A_343, %select_n3A_342, %select_n3A_303 : vector<2048x128xi1>, vector<2048x128xf32>
    %jit3A_352 = arith.constant 6 : i32
    %broadcast_in_dim3A_353 = vector.broadcast %jit3A_352 : i32 to vector<2048x128xi32>
    %select_n3A_354 = arith.select %lt3A_343, %broadcast_in_dim3A_353, %select_n3A_306 : vector<2048x128xi1>, vector<2048x128xi32>
    %get3A_355 = arith.constant 0 : index
    %get3A_356 = arith.constant 0 : index
    %get3A_357 = arith.constant 896 : index
    %get3A_358 = vector.load %arg3[%get3A_355, %get3A_356, %get3A_357] : memref<1x8x2048xf32, #tpu.memory_space<vmem>>, vector<1x1x128xf32>
    %get3A_359 = vector.shape_cast %get3A_358 : vector<1x1x128xf32> to vector<1x128xf32>
    %get3A_360 = arith.constant 0 : index
    %get3A_361 = arith.constant 1 : index
    %get3A_362 = arith.constant 896 : index
    %get3A_363 = vector.load %arg3[%get3A_360, %get3A_361, %get3A_362] : memref<1x8x2048xf32, #tpu.memory_space<vmem>>, vector<1x1x128xf32>
    %get3A_364 = vector.shape_cast %get3A_363 : vector<1x1x128xf32> to vector<1x128xf32>
    %get3A_365 = arith.constant 0 : index
    %get3A_366 = arith.constant 2 : index
    %get3A_367 = arith.constant 896 : index
    %get3A_368 = vector.load %arg3[%get3A_365, %get3A_366, %get3A_367] : memref<1x8x2048xf32, #tpu.memory_space<vmem>>, vector<1x1x128xf32>
    %get3A_369 = vector.shape_cast %get3A_368 : vector<1x1x128xf32> to vector<1x128xf32>
    %sub3A_370 = vector.broadcast %get3A_3 : vector<2048x1xf32> to vector<2048x128xf32>
    %sub3A_371 = vector.broadcast %get3A_359 : vector<1x128xf32> to vector<2048x128xf32>
    %sub3A_372 = arith.subf %sub3A_370, %sub3A_371 : vector<2048x128xf32>
    %mul3A_373 = arith.mulf %sub3A_372, %sub3A_372 : vector<2048x128xf32>
    %sub3A_374 = vector.broadcast %get3A_8 : vector<2048x1xf32> to vector<2048x128xf32>
    %sub3A_375 = vector.broadcast %get3A_364 : vector<1x128xf32> to vector<2048x128xf32>
    %sub3A_376 = arith.subf %sub3A_374, %sub3A_375 : vector<2048x128xf32>
    %mul3A_377 = arith.mulf %sub3A_376, %sub3A_376 : vector<2048x128xf32>
    %add3A_378 = arith.addf %mul3A_373, %mul3A_377 : vector<2048x128xf32>
    %sub3A_379 = vector.broadcast %get3A_13 : vector<2048x1xf32> to vector<2048x128xf32>
    %sub3A_380 = vector.broadcast %get3A_369 : vector<1x128xf32> to vector<2048x128xf32>
    %sub3A_381 = arith.subf %sub3A_379, %sub3A_380 : vector<2048x128xf32>
    %mul3A_382 = arith.mulf %sub3A_381, %sub3A_381 : vector<2048x128xf32>
    %add3A_383 = arith.addf %add3A_378, %mul3A_382 : vector<2048x128xf32>
    %sqrt3A_384 = math.sqrt %add3A_383 : vector<2048x128xf32>
    %eq3A_385 = arith.constant 896 : i32
    %eq3A_386 = vector.broadcast %eq3A_385 : i32 to vector<2048x128xi32>
    %eq3A_387 = arith.cmpi eq, %sub3A, %eq3A_386 : vector<2048x128xi32>
    %jit3A_388 = arith.constant 1.000000e+09 : f32
    %broadcast_in_dim3A_389 = vector.broadcast %jit3A_388 : f32 to vector<2048x128xf32>
    %select_n3A_390 = arith.select %eq3A_387, %broadcast_in_dim3A_389, %sqrt3A_384 : vector<2048x128xi1>, vector<2048x128xf32>
    %lt3A_391 = arith.cmpf olt, %select_n3A_390, %select_n3A_351 : vector<2048x128xf32>
    %lt3A_392 = arith.cmpf olt, %select_n3A_390, %select_n3A_349 : vector<2048x128xf32>
    %select_n3A_393 = arith.select %lt3A_392, %select_n3A_390, %select_n3A_349 : vector<2048x128xi1>, vector<2048x128xf32>
    %jit3A_394 = arith.constant 7 : i32
    %broadcast_in_dim3A_395 = vector.broadcast %jit3A_394 : i32 to vector<2048x128xi32>
    %select_n3A_396 = arith.select %lt3A_392, %broadcast_in_dim3A_395, %select_n3A_350 : vector<2048x128xi1>, vector<2048x128xi32>
    %select_n3A_397 = arith.select %lt3A_391, %select_n3A_351, %select_n3A_393 : vector<2048x128xi1>, vector<2048x128xf32>
    %select_n3A_398 = arith.select %lt3A_391, %select_n3A_354, %select_n3A_396 : vector<2048x128xi1>, vector<2048x128xi32>
    %select_n3A_399 = arith.select %lt3A_391, %select_n3A_390, %select_n3A_351 : vector<2048x128xi1>, vector<2048x128xf32>
    %jit3A_400 = arith.constant 7 : i32
    %broadcast_in_dim3A_401 = vector.broadcast %jit3A_400 : i32 to vector<2048x128xi32>
    %select_n3A_402 = arith.select %lt3A_391, %broadcast_in_dim3A_401, %select_n3A_354 : vector<2048x128xi1>, vector<2048x128xi32>
    %get3A_403 = arith.constant 0 : index
    %get3A_404 = arith.constant 0 : index
    %get3A_405 = arith.constant 1024 : index
    %get3A_406 = vector.load %arg3[%get3A_403, %get3A_404, %get3A_405] : memref<1x8x2048xf32, #tpu.memory_space<vmem>>, vector<1x1x128xf32>
    %get3A_407 = vector.shape_cast %get3A_406 : vector<1x1x128xf32> to vector<1x128xf32>
    %get3A_408 = arith.constant 0 : index
    %get3A_409 = arith.constant 1 : index
    %get3A_410 = arith.constant 1024 : index
    %get3A_411 = vector.load %arg3[%get3A_408, %get3A_409, %get3A_410] : memref<1x8x2048xf32, #tpu.memory_space<vmem>>, vector<1x1x128xf32>
    %get3A_412 = vector.shape_cast %get3A_411 : vector<1x1x128xf32> to vector<1x128xf32>
    %get3A_413 = arith.constant 0 : index
    %get3A_414 = arith.constant 2 : index
    %get3A_415 = arith.constant 1024 : index
    %get3A_416 = vector.load %arg3[%get3A_413, %get3A_414, %get3A_415] : memref<1x8x2048xf32, #tpu.memory_space<vmem>>, vector<1x1x128xf32>
    %get3A_417 = vector.shape_cast %get3A_416 : vector<1x1x128xf32> to vector<1x128xf32>
    %sub3A_418 = vector.broadcast %get3A_3 : vector<2048x1xf32> to vector<2048x128xf32>
    %sub3A_419 = vector.broadcast %get3A_407 : vector<1x128xf32> to vector<2048x128xf32>
    %sub3A_420 = arith.subf %sub3A_418, %sub3A_419 : vector<2048x128xf32>
    %mul3A_421 = arith.mulf %sub3A_420, %sub3A_420 : vector<2048x128xf32>
    %sub3A_422 = vector.broadcast %get3A_8 : vector<2048x1xf32> to vector<2048x128xf32>
    %sub3A_423 = vector.broadcast %get3A_412 : vector<1x128xf32> to vector<2048x128xf32>
    %sub3A_424 = arith.subf %sub3A_422, %sub3A_423 : vector<2048x128xf32>
    %mul3A_425 = arith.mulf %sub3A_424, %sub3A_424 : vector<2048x128xf32>
    %add3A_426 = arith.addf %mul3A_421, %mul3A_425 : vector<2048x128xf32>
    %sub3A_427 = vector.broadcast %get3A_13 : vector<2048x1xf32> to vector<2048x128xf32>
    %sub3A_428 = vector.broadcast %get3A_417 : vector<1x128xf32> to vector<2048x128xf32>
    %sub3A_429 = arith.subf %sub3A_427, %sub3A_428 : vector<2048x128xf32>
    %mul3A_430 = arith.mulf %sub3A_429, %sub3A_429 : vector<2048x128xf32>
    %add3A_431 = arith.addf %add3A_426, %mul3A_430 : vector<2048x128xf32>
    %sqrt3A_432 = math.sqrt %add3A_431 : vector<2048x128xf32>
    %eq3A_433 = arith.constant 1024 : i32
    %eq3A_434 = vector.broadcast %eq3A_433 : i32 to vector<2048x128xi32>
    %eq3A_435 = arith.cmpi eq, %sub3A, %eq3A_434 : vector<2048x128xi32>
    %jit3A_436 = arith.constant 1.000000e+09 : f32
    %broadcast_in_dim3A_437 = vector.broadcast %jit3A_436 : f32 to vector<2048x128xf32>
    %select_n3A_438 = arith.select %eq3A_435, %broadcast_in_dim3A_437, %sqrt3A_432 : vector<2048x128xi1>, vector<2048x128xf32>
    %lt3A_439 = arith.cmpf olt, %select_n3A_438, %select_n3A_399 : vector<2048x128xf32>
    %lt3A_440 = arith.cmpf olt, %select_n3A_438, %select_n3A_397 : vector<2048x128xf32>
    %select_n3A_441 = arith.select %lt3A_440, %select_n3A_438, %select_n3A_397 : vector<2048x128xi1>, vector<2048x128xf32>
    %jit3A_442 = arith.constant 8 : i32
    %broadcast_in_dim3A_443 = vector.broadcast %jit3A_442 : i32 to vector<2048x128xi32>
    %select_n3A_444 = arith.select %lt3A_440, %broadcast_in_dim3A_443, %select_n3A_398 : vector<2048x128xi1>, vector<2048x128xi32>
    %select_n3A_445 = arith.select %lt3A_439, %select_n3A_399, %select_n3A_441 : vector<2048x128xi1>, vector<2048x128xf32>
    %select_n3A_446 = arith.select %lt3A_439, %select_n3A_402, %select_n3A_444 : vector<2048x128xi1>, vector<2048x128xi32>
    %select_n3A_447 = arith.select %lt3A_439, %select_n3A_438, %select_n3A_399 : vector<2048x128xi1>, vector<2048x128xf32>
    %jit3A_448 = arith.constant 8 : i32
    %broadcast_in_dim3A_449 = vector.broadcast %jit3A_448 : i32 to vector<2048x128xi32>
    %select_n3A_450 = arith.select %lt3A_439, %broadcast_in_dim3A_449, %select_n3A_402 : vector<2048x128xi1>, vector<2048x128xi32>
    %get3A_451 = arith.constant 0 : index
    %get3A_452 = arith.constant 0 : index
    %get3A_453 = arith.constant 1152 : index
    %get3A_454 = vector.load %arg3[%get3A_451, %get3A_452, %get3A_453] : memref<1x8x2048xf32, #tpu.memory_space<vmem>>, vector<1x1x128xf32>
    %get3A_455 = vector.shape_cast %get3A_454 : vector<1x1x128xf32> to vector<1x128xf32>
    %get3A_456 = arith.constant 0 : index
    %get3A_457 = arith.constant 1 : index
    %get3A_458 = arith.constant 1152 : index
    %get3A_459 = vector.load %arg3[%get3A_456, %get3A_457, %get3A_458] : memref<1x8x2048xf32, #tpu.memory_space<vmem>>, vector<1x1x128xf32>
    %get3A_460 = vector.shape_cast %get3A_459 : vector<1x1x128xf32> to vector<1x128xf32>
    %get3A_461 = arith.constant 0 : index
    %get3A_462 = arith.constant 2 : index
    %get3A_463 = arith.constant 1152 : index
    %get3A_464 = vector.load %arg3[%get3A_461, %get3A_462, %get3A_463] : memref<1x8x2048xf32, #tpu.memory_space<vmem>>, vector<1x1x128xf32>
    %get3A_465 = vector.shape_cast %get3A_464 : vector<1x1x128xf32> to vector<1x128xf32>
    %sub3A_466 = vector.broadcast %get3A_3 : vector<2048x1xf32> to vector<2048x128xf32>
    %sub3A_467 = vector.broadcast %get3A_455 : vector<1x128xf32> to vector<2048x128xf32>
    %sub3A_468 = arith.subf %sub3A_466, %sub3A_467 : vector<2048x128xf32>
    %mul3A_469 = arith.mulf %sub3A_468, %sub3A_468 : vector<2048x128xf32>
    %sub3A_470 = vector.broadcast %get3A_8 : vector<2048x1xf32> to vector<2048x128xf32>
    %sub3A_471 = vector.broadcast %get3A_460 : vector<1x128xf32> to vector<2048x128xf32>
    %sub3A_472 = arith.subf %sub3A_470, %sub3A_471 : vector<2048x128xf32>
    %mul3A_473 = arith.mulf %sub3A_472, %sub3A_472 : vector<2048x128xf32>
    %add3A_474 = arith.addf %mul3A_469, %mul3A_473 : vector<2048x128xf32>
    %sub3A_475 = vector.broadcast %get3A_13 : vector<2048x1xf32> to vector<2048x128xf32>
    %sub3A_476 = vector.broadcast %get3A_465 : vector<1x128xf32> to vector<2048x128xf32>
    %sub3A_477 = arith.subf %sub3A_475, %sub3A_476 : vector<2048x128xf32>
    %mul3A_478 = arith.mulf %sub3A_477, %sub3A_477 : vector<2048x128xf32>
    %add3A_479 = arith.addf %add3A_474, %mul3A_478 : vector<2048x128xf32>
    %sqrt3A_480 = math.sqrt %add3A_479 : vector<2048x128xf32>
    %eq3A_481 = arith.constant 1152 : i32
    %eq3A_482 = vector.broadcast %eq3A_481 : i32 to vector<2048x128xi32>
    %eq3A_483 = arith.cmpi eq, %sub3A, %eq3A_482 : vector<2048x128xi32>
    %jit3A_484 = arith.constant 1.000000e+09 : f32
    %broadcast_in_dim3A_485 = vector.broadcast %jit3A_484 : f32 to vector<2048x128xf32>
    %select_n3A_486 = arith.select %eq3A_483, %broadcast_in_dim3A_485, %sqrt3A_480 : vector<2048x128xi1>, vector<2048x128xf32>
    %lt3A_487 = arith.cmpf olt, %select_n3A_486, %select_n3A_447 : vector<2048x128xf32>
    %lt3A_488 = arith.cmpf olt, %select_n3A_486, %select_n3A_445 : vector<2048x128xf32>
    %select_n3A_489 = arith.select %lt3A_488, %select_n3A_486, %select_n3A_445 : vector<2048x128xi1>, vector<2048x128xf32>
    %jit3A_490 = arith.constant 9 : i32
    %broadcast_in_dim3A_491 = vector.broadcast %jit3A_490 : i32 to vector<2048x128xi32>
    %select_n3A_492 = arith.select %lt3A_488, %broadcast_in_dim3A_491, %select_n3A_446 : vector<2048x128xi1>, vector<2048x128xi32>
    %select_n3A_493 = arith.select %lt3A_487, %select_n3A_447, %select_n3A_489 : vector<2048x128xi1>, vector<2048x128xf32>
    %select_n3A_494 = arith.select %lt3A_487, %select_n3A_450, %select_n3A_492 : vector<2048x128xi1>, vector<2048x128xi32>
    %select_n3A_495 = arith.select %lt3A_487, %select_n3A_486, %select_n3A_447 : vector<2048x128xi1>, vector<2048x128xf32>
    %jit3A_496 = arith.constant 9 : i32
    %broadcast_in_dim3A_497 = vector.broadcast %jit3A_496 : i32 to vector<2048x128xi32>
    %select_n3A_498 = arith.select %lt3A_487, %broadcast_in_dim3A_497, %select_n3A_450 : vector<2048x128xi1>, vector<2048x128xi32>
    %get3A_499 = arith.constant 0 : index
    %get3A_500 = arith.constant 0 : index
    %get3A_501 = arith.constant 1280 : index
    %get3A_502 = vector.load %arg3[%get3A_499, %get3A_500, %get3A_501] : memref<1x8x2048xf32, #tpu.memory_space<vmem>>, vector<1x1x128xf32>
    %get3A_503 = vector.shape_cast %get3A_502 : vector<1x1x128xf32> to vector<1x128xf32>
    %get3A_504 = arith.constant 0 : index
    %get3A_505 = arith.constant 1 : index
    %get3A_506 = arith.constant 1280 : index
    %get3A_507 = vector.load %arg3[%get3A_504, %get3A_505, %get3A_506] : memref<1x8x2048xf32, #tpu.memory_space<vmem>>, vector<1x1x128xf32>
    %get3A_508 = vector.shape_cast %get3A_507 : vector<1x1x128xf32> to vector<1x128xf32>
    %get3A_509 = arith.constant 0 : index
    %get3A_510 = arith.constant 2 : index
    %get3A_511 = arith.constant 1280 : index
    %get3A_512 = vector.load %arg3[%get3A_509, %get3A_510, %get3A_511] : memref<1x8x2048xf32, #tpu.memory_space<vmem>>, vector<1x1x128xf32>
    %get3A_513 = vector.shape_cast %get3A_512 : vector<1x1x128xf32> to vector<1x128xf32>
    %sub3A_514 = vector.broadcast %get3A_3 : vector<2048x1xf32> to vector<2048x128xf32>
    %sub3A_515 = vector.broadcast %get3A_503 : vector<1x128xf32> to vector<2048x128xf32>
    %sub3A_516 = arith.subf %sub3A_514, %sub3A_515 : vector<2048x128xf32>
    %mul3A_517 = arith.mulf %sub3A_516, %sub3A_516 : vector<2048x128xf32>
    %sub3A_518 = vector.broadcast %get3A_8 : vector<2048x1xf32> to vector<2048x128xf32>
    %sub3A_519 = vector.broadcast %get3A_508 : vector<1x128xf32> to vector<2048x128xf32>
    %sub3A_520 = arith.subf %sub3A_518, %sub3A_519 : vector<2048x128xf32>
    %mul3A_521 = arith.mulf %sub3A_520, %sub3A_520 : vector<2048x128xf32>
    %add3A_522 = arith.addf %mul3A_517, %mul3A_521 : vector<2048x128xf32>
    %sub3A_523 = vector.broadcast %get3A_13 : vector<2048x1xf32> to vector<2048x128xf32>
    %sub3A_524 = vector.broadcast %get3A_513 : vector<1x128xf32> to vector<2048x128xf32>
    %sub3A_525 = arith.subf %sub3A_523, %sub3A_524 : vector<2048x128xf32>
    %mul3A_526 = arith.mulf %sub3A_525, %sub3A_525 : vector<2048x128xf32>
    %add3A_527 = arith.addf %add3A_522, %mul3A_526 : vector<2048x128xf32>
    %sqrt3A_528 = math.sqrt %add3A_527 : vector<2048x128xf32>
    %eq3A_529 = arith.constant 1280 : i32
    %eq3A_530 = vector.broadcast %eq3A_529 : i32 to vector<2048x128xi32>
    %eq3A_531 = arith.cmpi eq, %sub3A, %eq3A_530 : vector<2048x128xi32>
    %jit3A_532 = arith.constant 1.000000e+09 : f32
    %broadcast_in_dim3A_533 = vector.broadcast %jit3A_532 : f32 to vector<2048x128xf32>
    %select_n3A_534 = arith.select %eq3A_531, %broadcast_in_dim3A_533, %sqrt3A_528 : vector<2048x128xi1>, vector<2048x128xf32>
    %lt3A_535 = arith.cmpf olt, %select_n3A_534, %select_n3A_495 : vector<2048x128xf32>
    %lt3A_536 = arith.cmpf olt, %select_n3A_534, %select_n3A_493 : vector<2048x128xf32>
    %select_n3A_537 = arith.select %lt3A_536, %select_n3A_534, %select_n3A_493 : vector<2048x128xi1>, vector<2048x128xf32>
    %jit3A_538 = arith.constant 10 : i32
    %broadcast_in_dim3A_539 = vector.broadcast %jit3A_538 : i32 to vector<2048x128xi32>
    %select_n3A_540 = arith.select %lt3A_536, %broadcast_in_dim3A_539, %select_n3A_494 : vector<2048x128xi1>, vector<2048x128xi32>
    %select_n3A_541 = arith.select %lt3A_535, %select_n3A_495, %select_n3A_537 : vector<2048x128xi1>, vector<2048x128xf32>
    %select_n3A_542 = arith.select %lt3A_535, %select_n3A_498, %select_n3A_540 : vector<2048x128xi1>, vector<2048x128xi32>
    %select_n3A_543 = arith.select %lt3A_535, %select_n3A_534, %select_n3A_495 : vector<2048x128xi1>, vector<2048x128xf32>
    %jit3A_544 = arith.constant 10 : i32
    %broadcast_in_dim3A_545 = vector.broadcast %jit3A_544 : i32 to vector<2048x128xi32>
    %select_n3A_546 = arith.select %lt3A_535, %broadcast_in_dim3A_545, %select_n3A_498 : vector<2048x128xi1>, vector<2048x128xi32>
    %get3A_547 = arith.constant 0 : index
    %get3A_548 = arith.constant 0 : index
    %get3A_549 = arith.constant 1408 : index
    %get3A_550 = vector.load %arg3[%get3A_547, %get3A_548, %get3A_549] : memref<1x8x2048xf32, #tpu.memory_space<vmem>>, vector<1x1x128xf32>
    %get3A_551 = vector.shape_cast %get3A_550 : vector<1x1x128xf32> to vector<1x128xf32>
    %get3A_552 = arith.constant 0 : index
    %get3A_553 = arith.constant 1 : index
    %get3A_554 = arith.constant 1408 : index
    %get3A_555 = vector.load %arg3[%get3A_552, %get3A_553, %get3A_554] : memref<1x8x2048xf32, #tpu.memory_space<vmem>>, vector<1x1x128xf32>
    %get3A_556 = vector.shape_cast %get3A_555 : vector<1x1x128xf32> to vector<1x128xf32>
    %get3A_557 = arith.constant 0 : index
    %get3A_558 = arith.constant 2 : index
    %get3A_559 = arith.constant 1408 : index
    %get3A_560 = vector.load %arg3[%get3A_557, %get3A_558, %get3A_559] : memref<1x8x2048xf32, #tpu.memory_space<vmem>>, vector<1x1x128xf32>
    %get3A_561 = vector.shape_cast %get3A_560 : vector<1x1x128xf32> to vector<1x128xf32>
    %sub3A_562 = vector.broadcast %get3A_3 : vector<2048x1xf32> to vector<2048x128xf32>
    %sub3A_563 = vector.broadcast %get3A_551 : vector<1x128xf32> to vector<2048x128xf32>
    %sub3A_564 = arith.subf %sub3A_562, %sub3A_563 : vector<2048x128xf32>
    %mul3A_565 = arith.mulf %sub3A_564, %sub3A_564 : vector<2048x128xf32>
    %sub3A_566 = vector.broadcast %get3A_8 : vector<2048x1xf32> to vector<2048x128xf32>
    %sub3A_567 = vector.broadcast %get3A_556 : vector<1x128xf32> to vector<2048x128xf32>
    %sub3A_568 = arith.subf %sub3A_566, %sub3A_567 : vector<2048x128xf32>
    %mul3A_569 = arith.mulf %sub3A_568, %sub3A_568 : vector<2048x128xf32>
    %add3A_570 = arith.addf %mul3A_565, %mul3A_569 : vector<2048x128xf32>
    %sub3A_571 = vector.broadcast %get3A_13 : vector<2048x1xf32> to vector<2048x128xf32>
    %sub3A_572 = vector.broadcast %get3A_561 : vector<1x128xf32> to vector<2048x128xf32>
    %sub3A_573 = arith.subf %sub3A_571, %sub3A_572 : vector<2048x128xf32>
    %mul3A_574 = arith.mulf %sub3A_573, %sub3A_573 : vector<2048x128xf32>
    %add3A_575 = arith.addf %add3A_570, %mul3A_574 : vector<2048x128xf32>
    %sqrt3A_576 = math.sqrt %add3A_575 : vector<2048x128xf32>
    %eq3A_577 = arith.constant 1408 : i32
    %eq3A_578 = vector.broadcast %eq3A_577 : i32 to vector<2048x128xi32>
    %eq3A_579 = arith.cmpi eq, %sub3A, %eq3A_578 : vector<2048x128xi32>
    %jit3A_580 = arith.constant 1.000000e+09 : f32
    %broadcast_in_dim3A_581 = vector.broadcast %jit3A_580 : f32 to vector<2048x128xf32>
    %select_n3A_582 = arith.select %eq3A_579, %broadcast_in_dim3A_581, %sqrt3A_576 : vector<2048x128xi1>, vector<2048x128xf32>
    %lt3A_583 = arith.cmpf olt, %select_n3A_582, %select_n3A_543 : vector<2048x128xf32>
    %lt3A_584 = arith.cmpf olt, %select_n3A_582, %select_n3A_541 : vector<2048x128xf32>
    %select_n3A_585 = arith.select %lt3A_584, %select_n3A_582, %select_n3A_541 : vector<2048x128xi1>, vector<2048x128xf32>
    %jit3A_586 = arith.constant 11 : i32
    %broadcast_in_dim3A_587 = vector.broadcast %jit3A_586 : i32 to vector<2048x128xi32>
    %select_n3A_588 = arith.select %lt3A_584, %broadcast_in_dim3A_587, %select_n3A_542 : vector<2048x128xi1>, vector<2048x128xi32>
    %select_n3A_589 = arith.select %lt3A_583, %select_n3A_543, %select_n3A_585 : vector<2048x128xi1>, vector<2048x128xf32>
    %select_n3A_590 = arith.select %lt3A_583, %select_n3A_546, %select_n3A_588 : vector<2048x128xi1>, vector<2048x128xi32>
    %select_n3A_591 = arith.select %lt3A_583, %select_n3A_582, %select_n3A_543 : vector<2048x128xi1>, vector<2048x128xf32>
    %jit3A_592 = arith.constant 11 : i32
    %broadcast_in_dim3A_593 = vector.broadcast %jit3A_592 : i32 to vector<2048x128xi32>
    %select_n3A_594 = arith.select %lt3A_583, %broadcast_in_dim3A_593, %select_n3A_546 : vector<2048x128xi1>, vector<2048x128xi32>
    %get3A_595 = arith.constant 0 : index
    %get3A_596 = arith.constant 0 : index
    %get3A_597 = arith.constant 1536 : index
    %get3A_598 = vector.load %arg3[%get3A_595, %get3A_596, %get3A_597] : memref<1x8x2048xf32, #tpu.memory_space<vmem>>, vector<1x1x128xf32>
    %get3A_599 = vector.shape_cast %get3A_598 : vector<1x1x128xf32> to vector<1x128xf32>
    %get3A_600 = arith.constant 0 : index
    %get3A_601 = arith.constant 1 : index
    %get3A_602 = arith.constant 1536 : index
    %get3A_603 = vector.load %arg3[%get3A_600, %get3A_601, %get3A_602] : memref<1x8x2048xf32, #tpu.memory_space<vmem>>, vector<1x1x128xf32>
    %get3A_604 = vector.shape_cast %get3A_603 : vector<1x1x128xf32> to vector<1x128xf32>
    %get3A_605 = arith.constant 0 : index
    %get3A_606 = arith.constant 2 : index
    %get3A_607 = arith.constant 1536 : index
    %get3A_608 = vector.load %arg3[%get3A_605, %get3A_606, %get3A_607] : memref<1x8x2048xf32, #tpu.memory_space<vmem>>, vector<1x1x128xf32>
    %get3A_609 = vector.shape_cast %get3A_608 : vector<1x1x128xf32> to vector<1x128xf32>
    %sub3A_610 = vector.broadcast %get3A_3 : vector<2048x1xf32> to vector<2048x128xf32>
    %sub3A_611 = vector.broadcast %get3A_599 : vector<1x128xf32> to vector<2048x128xf32>
    %sub3A_612 = arith.subf %sub3A_610, %sub3A_611 : vector<2048x128xf32>
    %mul3A_613 = arith.mulf %sub3A_612, %sub3A_612 : vector<2048x128xf32>
    %sub3A_614 = vector.broadcast %get3A_8 : vector<2048x1xf32> to vector<2048x128xf32>
    %sub3A_615 = vector.broadcast %get3A_604 : vector<1x128xf32> to vector<2048x128xf32>
    %sub3A_616 = arith.subf %sub3A_614, %sub3A_615 : vector<2048x128xf32>
    %mul3A_617 = arith.mulf %sub3A_616, %sub3A_616 : vector<2048x128xf32>
    %add3A_618 = arith.addf %mul3A_613, %mul3A_617 : vector<2048x128xf32>
    %sub3A_619 = vector.broadcast %get3A_13 : vector<2048x1xf32> to vector<2048x128xf32>
    %sub3A_620 = vector.broadcast %get3A_609 : vector<1x128xf32> to vector<2048x128xf32>
    %sub3A_621 = arith.subf %sub3A_619, %sub3A_620 : vector<2048x128xf32>
    %mul3A_622 = arith.mulf %sub3A_621, %sub3A_621 : vector<2048x128xf32>
    %add3A_623 = arith.addf %add3A_618, %mul3A_622 : vector<2048x128xf32>
    %sqrt3A_624 = math.sqrt %add3A_623 : vector<2048x128xf32>
    %eq3A_625 = arith.constant 1536 : i32
    %eq3A_626 = vector.broadcast %eq3A_625 : i32 to vector<2048x128xi32>
    %eq3A_627 = arith.cmpi eq, %sub3A, %eq3A_626 : vector<2048x128xi32>
    %jit3A_628 = arith.constant 1.000000e+09 : f32
    %broadcast_in_dim3A_629 = vector.broadcast %jit3A_628 : f32 to vector<2048x128xf32>
    %select_n3A_630 = arith.select %eq3A_627, %broadcast_in_dim3A_629, %sqrt3A_624 : vector<2048x128xi1>, vector<2048x128xf32>
    %lt3A_631 = arith.cmpf olt, %select_n3A_630, %select_n3A_591 : vector<2048x128xf32>
    %lt3A_632 = arith.cmpf olt, %select_n3A_630, %select_n3A_589 : vector<2048x128xf32>
    %select_n3A_633 = arith.select %lt3A_632, %select_n3A_630, %select_n3A_589 : vector<2048x128xi1>, vector<2048x128xf32>
    %jit3A_634 = arith.constant 12 : i32
    %broadcast_in_dim3A_635 = vector.broadcast %jit3A_634 : i32 to vector<2048x128xi32>
    %select_n3A_636 = arith.select %lt3A_632, %broadcast_in_dim3A_635, %select_n3A_590 : vector<2048x128xi1>, vector<2048x128xi32>
    %select_n3A_637 = arith.select %lt3A_631, %select_n3A_591, %select_n3A_633 : vector<2048x128xi1>, vector<2048x128xf32>
    %select_n3A_638 = arith.select %lt3A_631, %select_n3A_594, %select_n3A_636 : vector<2048x128xi1>, vector<2048x128xi32>
    %select_n3A_639 = arith.select %lt3A_631, %select_n3A_630, %select_n3A_591 : vector<2048x128xi1>, vector<2048x128xf32>
    %jit3A_640 = arith.constant 12 : i32
    %broadcast_in_dim3A_641 = vector.broadcast %jit3A_640 : i32 to vector<2048x128xi32>
    %select_n3A_642 = arith.select %lt3A_631, %broadcast_in_dim3A_641, %select_n3A_594 : vector<2048x128xi1>, vector<2048x128xi32>
    %get3A_643 = arith.constant 0 : index
    %get3A_644 = arith.constant 0 : index
    %get3A_645 = arith.constant 1664 : index
    %get3A_646 = vector.load %arg3[%get3A_643, %get3A_644, %get3A_645] : memref<1x8x2048xf32, #tpu.memory_space<vmem>>, vector<1x1x128xf32>
    %get3A_647 = vector.shape_cast %get3A_646 : vector<1x1x128xf32> to vector<1x128xf32>
    %get3A_648 = arith.constant 0 : index
    %get3A_649 = arith.constant 1 : index
    %get3A_650 = arith.constant 1664 : index
    %get3A_651 = vector.load %arg3[%get3A_648, %get3A_649, %get3A_650] : memref<1x8x2048xf32, #tpu.memory_space<vmem>>, vector<1x1x128xf32>
    %get3A_652 = vector.shape_cast %get3A_651 : vector<1x1x128xf32> to vector<1x128xf32>
    %get3A_653 = arith.constant 0 : index
    %get3A_654 = arith.constant 2 : index
    %get3A_655 = arith.constant 1664 : index
    %get3A_656 = vector.load %arg3[%get3A_653, %get3A_654, %get3A_655] : memref<1x8x2048xf32, #tpu.memory_space<vmem>>, vector<1x1x128xf32>
    %get3A_657 = vector.shape_cast %get3A_656 : vector<1x1x128xf32> to vector<1x128xf32>
    %sub3A_658 = vector.broadcast %get3A_3 : vector<2048x1xf32> to vector<2048x128xf32>
    %sub3A_659 = vector.broadcast %get3A_647 : vector<1x128xf32> to vector<2048x128xf32>
    %sub3A_660 = arith.subf %sub3A_658, %sub3A_659 : vector<2048x128xf32>
    %mul3A_661 = arith.mulf %sub3A_660, %sub3A_660 : vector<2048x128xf32>
    %sub3A_662 = vector.broadcast %get3A_8 : vector<2048x1xf32> to vector<2048x128xf32>
    %sub3A_663 = vector.broadcast %get3A_652 : vector<1x128xf32> to vector<2048x128xf32>
    %sub3A_664 = arith.subf %sub3A_662, %sub3A_663 : vector<2048x128xf32>
    %mul3A_665 = arith.mulf %sub3A_664, %sub3A_664 : vector<2048x128xf32>
    %add3A_666 = arith.addf %mul3A_661, %mul3A_665 : vector<2048x128xf32>
    %sub3A_667 = vector.broadcast %get3A_13 : vector<2048x1xf32> to vector<2048x128xf32>
    %sub3A_668 = vector.broadcast %get3A_657 : vector<1x128xf32> to vector<2048x128xf32>
    %sub3A_669 = arith.subf %sub3A_667, %sub3A_668 : vector<2048x128xf32>
    %mul3A_670 = arith.mulf %sub3A_669, %sub3A_669 : vector<2048x128xf32>
    %add3A_671 = arith.addf %add3A_666, %mul3A_670 : vector<2048x128xf32>
    %sqrt3A_672 = math.sqrt %add3A_671 : vector<2048x128xf32>
    %eq3A_673 = arith.constant 1664 : i32
    %eq3A_674 = vector.broadcast %eq3A_673 : i32 to vector<2048x128xi32>
    %eq3A_675 = arith.cmpi eq, %sub3A, %eq3A_674 : vector<2048x128xi32>
    %jit3A_676 = arith.constant 1.000000e+09 : f32
    %broadcast_in_dim3A_677 = vector.broadcast %jit3A_676 : f32 to vector<2048x128xf32>
    %select_n3A_678 = arith.select %eq3A_675, %broadcast_in_dim3A_677, %sqrt3A_672 : vector<2048x128xi1>, vector<2048x128xf32>
    %lt3A_679 = arith.cmpf olt, %select_n3A_678, %select_n3A_639 : vector<2048x128xf32>
    %lt3A_680 = arith.cmpf olt, %select_n3A_678, %select_n3A_637 : vector<2048x128xf32>
    %select_n3A_681 = arith.select %lt3A_680, %select_n3A_678, %select_n3A_637 : vector<2048x128xi1>, vector<2048x128xf32>
    %jit3A_682 = arith.constant 13 : i32
    %broadcast_in_dim3A_683 = vector.broadcast %jit3A_682 : i32 to vector<2048x128xi32>
    %select_n3A_684 = arith.select %lt3A_680, %broadcast_in_dim3A_683, %select_n3A_638 : vector<2048x128xi1>, vector<2048x128xi32>
    %select_n3A_685 = arith.select %lt3A_679, %select_n3A_639, %select_n3A_681 : vector<2048x128xi1>, vector<2048x128xf32>
    %select_n3A_686 = arith.select %lt3A_679, %select_n3A_642, %select_n3A_684 : vector<2048x128xi1>, vector<2048x128xi32>
    %select_n3A_687 = arith.select %lt3A_679, %select_n3A_678, %select_n3A_639 : vector<2048x128xi1>, vector<2048x128xf32>
    %jit3A_688 = arith.constant 13 : i32
    %broadcast_in_dim3A_689 = vector.broadcast %jit3A_688 : i32 to vector<2048x128xi32>
    %select_n3A_690 = arith.select %lt3A_679, %broadcast_in_dim3A_689, %select_n3A_642 : vector<2048x128xi1>, vector<2048x128xi32>
    %get3A_691 = arith.constant 0 : index
    %get3A_692 = arith.constant 0 : index
    %get3A_693 = arith.constant 1792 : index
    %get3A_694 = vector.load %arg3[%get3A_691, %get3A_692, %get3A_693] : memref<1x8x2048xf32, #tpu.memory_space<vmem>>, vector<1x1x128xf32>
    %get3A_695 = vector.shape_cast %get3A_694 : vector<1x1x128xf32> to vector<1x128xf32>
    %get3A_696 = arith.constant 0 : index
    %get3A_697 = arith.constant 1 : index
    %get3A_698 = arith.constant 1792 : index
    %get3A_699 = vector.load %arg3[%get3A_696, %get3A_697, %get3A_698] : memref<1x8x2048xf32, #tpu.memory_space<vmem>>, vector<1x1x128xf32>
    %get3A_700 = vector.shape_cast %get3A_699 : vector<1x1x128xf32> to vector<1x128xf32>
    %get3A_701 = arith.constant 0 : index
    %get3A_702 = arith.constant 2 : index
    %get3A_703 = arith.constant 1792 : index
    %get3A_704 = vector.load %arg3[%get3A_701, %get3A_702, %get3A_703] : memref<1x8x2048xf32, #tpu.memory_space<vmem>>, vector<1x1x128xf32>
    %get3A_705 = vector.shape_cast %get3A_704 : vector<1x1x128xf32> to vector<1x128xf32>
    %sub3A_706 = vector.broadcast %get3A_3 : vector<2048x1xf32> to vector<2048x128xf32>
    %sub3A_707 = vector.broadcast %get3A_695 : vector<1x128xf32> to vector<2048x128xf32>
    %sub3A_708 = arith.subf %sub3A_706, %sub3A_707 : vector<2048x128xf32>
    %mul3A_709 = arith.mulf %sub3A_708, %sub3A_708 : vector<2048x128xf32>
    %sub3A_710 = vector.broadcast %get3A_8 : vector<2048x1xf32> to vector<2048x128xf32>
    %sub3A_711 = vector.broadcast %get3A_700 : vector<1x128xf32> to vector<2048x128xf32>
    %sub3A_712 = arith.subf %sub3A_710, %sub3A_711 : vector<2048x128xf32>
    %mul3A_713 = arith.mulf %sub3A_712, %sub3A_712 : vector<2048x128xf32>
    %add3A_714 = arith.addf %mul3A_709, %mul3A_713 : vector<2048x128xf32>
    %sub3A_715 = vector.broadcast %get3A_13 : vector<2048x1xf32> to vector<2048x128xf32>
    %sub3A_716 = vector.broadcast %get3A_705 : vector<1x128xf32> to vector<2048x128xf32>
    %sub3A_717 = arith.subf %sub3A_715, %sub3A_716 : vector<2048x128xf32>
    %mul3A_718 = arith.mulf %sub3A_717, %sub3A_717 : vector<2048x128xf32>
    %add3A_719 = arith.addf %add3A_714, %mul3A_718 : vector<2048x128xf32>
    %sqrt3A_720 = math.sqrt %add3A_719 : vector<2048x128xf32>
    %eq3A_721 = arith.constant 1792 : i32
    %eq3A_722 = vector.broadcast %eq3A_721 : i32 to vector<2048x128xi32>
    %eq3A_723 = arith.cmpi eq, %sub3A, %eq3A_722 : vector<2048x128xi32>
    %jit3A_724 = arith.constant 1.000000e+09 : f32
    %broadcast_in_dim3A_725 = vector.broadcast %jit3A_724 : f32 to vector<2048x128xf32>
    %select_n3A_726 = arith.select %eq3A_723, %broadcast_in_dim3A_725, %sqrt3A_720 : vector<2048x128xi1>, vector<2048x128xf32>
    %lt3A_727 = arith.cmpf olt, %select_n3A_726, %select_n3A_687 : vector<2048x128xf32>
    %lt3A_728 = arith.cmpf olt, %select_n3A_726, %select_n3A_685 : vector<2048x128xf32>
    %select_n3A_729 = arith.select %lt3A_728, %select_n3A_726, %select_n3A_685 : vector<2048x128xi1>, vector<2048x128xf32>
    %jit3A_730 = arith.constant 14 : i32
    %broadcast_in_dim3A_731 = vector.broadcast %jit3A_730 : i32 to vector<2048x128xi32>
    %select_n3A_732 = arith.select %lt3A_728, %broadcast_in_dim3A_731, %select_n3A_686 : vector<2048x128xi1>, vector<2048x128xi32>
    %select_n3A_733 = arith.select %lt3A_727, %select_n3A_687, %select_n3A_729 : vector<2048x128xi1>, vector<2048x128xf32>
    %select_n3A_734 = arith.select %lt3A_727, %select_n3A_690, %select_n3A_732 : vector<2048x128xi1>, vector<2048x128xi32>
    %select_n3A_735 = arith.select %lt3A_727, %select_n3A_726, %select_n3A_687 : vector<2048x128xi1>, vector<2048x128xf32>
    %jit3A_736 = arith.constant 14 : i32
    %broadcast_in_dim3A_737 = vector.broadcast %jit3A_736 : i32 to vector<2048x128xi32>
    %select_n3A_738 = arith.select %lt3A_727, %broadcast_in_dim3A_737, %select_n3A_690 : vector<2048x128xi1>, vector<2048x128xi32>
    %get3A_739 = arith.constant 0 : index
    %get3A_740 = arith.constant 0 : index
    %get3A_741 = arith.constant 1920 : index
    %get3A_742 = vector.load %arg3[%get3A_739, %get3A_740, %get3A_741] : memref<1x8x2048xf32, #tpu.memory_space<vmem>>, vector<1x1x128xf32>
    %get3A_743 = vector.shape_cast %get3A_742 : vector<1x1x128xf32> to vector<1x128xf32>
    %get3A_744 = arith.constant 0 : index
    %get3A_745 = arith.constant 1 : index
    %get3A_746 = arith.constant 1920 : index
    %get3A_747 = vector.load %arg3[%get3A_744, %get3A_745, %get3A_746] : memref<1x8x2048xf32, #tpu.memory_space<vmem>>, vector<1x1x128xf32>
    %get3A_748 = vector.shape_cast %get3A_747 : vector<1x1x128xf32> to vector<1x128xf32>
    %get3A_749 = arith.constant 0 : index
    %get3A_750 = arith.constant 2 : index
    %get3A_751 = arith.constant 1920 : index
    %get3A_752 = vector.load %arg3[%get3A_749, %get3A_750, %get3A_751] : memref<1x8x2048xf32, #tpu.memory_space<vmem>>, vector<1x1x128xf32>
    %get3A_753 = vector.shape_cast %get3A_752 : vector<1x1x128xf32> to vector<1x128xf32>
    %sub3A_754 = vector.broadcast %get3A_3 : vector<2048x1xf32> to vector<2048x128xf32>
    %sub3A_755 = vector.broadcast %get3A_743 : vector<1x128xf32> to vector<2048x128xf32>
    %sub3A_756 = arith.subf %sub3A_754, %sub3A_755 : vector<2048x128xf32>
    %mul3A_757 = arith.mulf %sub3A_756, %sub3A_756 : vector<2048x128xf32>
    %sub3A_758 = vector.broadcast %get3A_8 : vector<2048x1xf32> to vector<2048x128xf32>
    %sub3A_759 = vector.broadcast %get3A_748 : vector<1x128xf32> to vector<2048x128xf32>
    %sub3A_760 = arith.subf %sub3A_758, %sub3A_759 : vector<2048x128xf32>
    %mul3A_761 = arith.mulf %sub3A_760, %sub3A_760 : vector<2048x128xf32>
    %add3A_762 = arith.addf %mul3A_757, %mul3A_761 : vector<2048x128xf32>
    %sub3A_763 = vector.broadcast %get3A_13 : vector<2048x1xf32> to vector<2048x128xf32>
    %sub3A_764 = vector.broadcast %get3A_753 : vector<1x128xf32> to vector<2048x128xf32>
    %sub3A_765 = arith.subf %sub3A_763, %sub3A_764 : vector<2048x128xf32>
    %mul3A_766 = arith.mulf %sub3A_765, %sub3A_765 : vector<2048x128xf32>
    %add3A_767 = arith.addf %add3A_762, %mul3A_766 : vector<2048x128xf32>
    %sqrt3A_768 = math.sqrt %add3A_767 : vector<2048x128xf32>
    %eq3A_769 = arith.constant 1920 : i32
    %eq3A_770 = vector.broadcast %eq3A_769 : i32 to vector<2048x128xi32>
    %eq3A_771 = arith.cmpi eq, %sub3A, %eq3A_770 : vector<2048x128xi32>
    %jit3A_772 = arith.constant 1.000000e+09 : f32
    %broadcast_in_dim3A_773 = vector.broadcast %jit3A_772 : f32 to vector<2048x128xf32>
    %select_n3A_774 = arith.select %eq3A_771, %broadcast_in_dim3A_773, %sqrt3A_768 : vector<2048x128xi1>, vector<2048x128xf32>
    %lt3A_775 = arith.cmpf olt, %select_n3A_774, %select_n3A_735 : vector<2048x128xf32>
    %lt3A_776 = arith.cmpf olt, %select_n3A_774, %select_n3A_733 : vector<2048x128xf32>
    %select_n3A_777 = arith.select %lt3A_776, %select_n3A_774, %select_n3A_733 : vector<2048x128xi1>, vector<2048x128xf32>
    %jit3A_778 = arith.constant 15 : i32
    %broadcast_in_dim3A_779 = vector.broadcast %jit3A_778 : i32 to vector<2048x128xi32>
    %select_n3A_780 = arith.select %lt3A_776, %broadcast_in_dim3A_779, %select_n3A_734 : vector<2048x128xi1>, vector<2048x128xi32>
    %select_n3A_781 = arith.select %lt3A_775, %select_n3A_735, %select_n3A_777 : vector<2048x128xi1>, vector<2048x128xf32>
    %select_n3A_782 = arith.select %lt3A_775, %select_n3A_738, %select_n3A_780 : vector<2048x128xi1>, vector<2048x128xi32>
    %select_n3A_783 = arith.select %lt3A_775, %select_n3A_774, %select_n3A_735 : vector<2048x128xi1>, vector<2048x128xf32>
    %jit3A_784 = arith.constant 15 : i32
    %broadcast_in_dim3A_785 = vector.broadcast %jit3A_784 : i32 to vector<2048x128xi32>
    %select_n3A_786 = arith.select %lt3A_775, %broadcast_in_dim3A_785, %select_n3A_738 : vector<2048x128xi1>, vector<2048x128xi32>
    %mul3A_787 = arith.constant 128 : i32
    %mul3A_788 = vector.broadcast %mul3A_787 : i32 to vector<2048x128xi32>
    %mul3A_789 = arith.muli %select_n3A_786, %mul3A_788 : vector<2048x128xi32>
    %add3A_790 = arith.addi %mul3A_789, %iota3A : vector<2048x128xi32>
    %mul3A_791 = arith.constant 128 : i32
    %mul3A_792 = vector.broadcast %mul3A_791 : i32 to vector<2048x128xi32>
    %mul3A_793 = arith.muli %select_n3A_782, %mul3A_792 : vector<2048x128xi32>
    %add3A_794 = arith.addi %mul3A_793, %iota3A : vector<2048x128xi32>
    %reduce_min3A = arith.constant dense<0x7F800000> : vector<2048xf32>
    %reduce_min3A_795 = vector.multi_reduction <minimumf>, %select_n3A_783, %reduce_min3A [1] : vector<2048x128xf32> to vector<2048xf32>
    %broadcast_in_dim3A_796 = vector.shape_cast %reduce_min3A_795 : vector<2048xf32> to vector<2048x1xf32>
    %eq3A_797 = vector.broadcast %broadcast_in_dim3A_796 : vector<2048x1xf32> to vector<2048x128xf32>
    %eq3A_798 = arith.cmpf oeq, %select_n3A_783, %eq3A_797 : vector<2048x128xf32>
    %jit3A_799 = arith.constant 2048 : i32
    %broadcast_in_dim3A_800 = vector.broadcast %jit3A_799 : i32 to vector<2048x128xi32>
    %select_n3A_801 = arith.select %eq3A_798, %add3A_790, %broadcast_in_dim3A_800 : vector<2048x128xi1>, vector<2048x128xi32>
    %reduce_min3A_802 = arith.constant dense<2147483647> : vector<2048xi32>
    %reduce_min3A_803 = vector.multi_reduction <minsi>, %select_n3A_801, %reduce_min3A_802 [1] : vector<2048x128xi32> to vector<2048xi32>
    %broadcast_in_dim3A_804 = vector.shape_cast %reduce_min3A_803 : vector<2048xi32> to vector<2048x1xi32>
    %eq3A_805 = vector.broadcast %broadcast_in_dim3A_804 : vector<2048x1xi32> to vector<2048x128xi32>
    %eq3A_806 = arith.cmpi eq, %add3A_790, %eq3A_805 : vector<2048x128xi32>
    %select_n3A_807 = arith.select %eq3A_806, %select_n3A_781, %select_n3A_783 : vector<2048x128xi1>, vector<2048x128xf32>
    %select_n3A_808 = arith.select %eq3A_806, %add3A_794, %add3A_790 : vector<2048x128xi1>, vector<2048x128xi32>
    %reduce_min3A_809 = arith.constant dense<0x7F800000> : vector<2048xf32>
    %reduce_min3A_810 = vector.multi_reduction <minimumf>, %select_n3A_807, %reduce_min3A_809 [1] : vector<2048x128xf32> to vector<2048xf32>
    %broadcast_in_dim3A_811 = vector.shape_cast %reduce_min3A_810 : vector<2048xf32> to vector<2048x1xf32>
    %eq3A_812 = vector.broadcast %broadcast_in_dim3A_811 : vector<2048x1xf32> to vector<2048x128xf32>
    %eq3A_813 = arith.cmpf oeq, %select_n3A_807, %eq3A_812 : vector<2048x128xf32>
    %jit3A_814 = arith.constant 2048 : i32
    %broadcast_in_dim3A_815 = vector.broadcast %jit3A_814 : i32 to vector<2048x128xi32>
    %select_n3A_816 = arith.select %eq3A_813, %select_n3A_808, %broadcast_in_dim3A_815 : vector<2048x128xi1>, vector<2048x128xi32>
    %reduce_min3A_817 = arith.constant dense<2147483647> : vector<2048xi32>
    %reduce_min3A_818 = vector.multi_reduction <minsi>, %select_n3A_816, %reduce_min3A_817 [1] : vector<2048x128xi32> to vector<2048xi32>
    %broadcast_in_dim3A_819 = vector.shape_cast %reduce_min3A_818 : vector<2048xi32> to vector<2048x1xi32>
    %swap3A = arith.constant 0 : index
    %swap3A_820 = arith.constant 0 : index
    %swap3A_821 = arith.constant 0 : index
    %swap3A_822 = vector.load %arg4[%swap3A, %swap3A_820, %swap3A_821] : memref<1x2048x1xi32, #tpu.memory_space<vmem>>, vector<1x2048x1xi32>
    %swap3A_823 = vector.shape_cast %swap3A_822 : vector<1x2048x1xi32> to vector<2048x1xi32>
    %swap3A_824 = vector.shape_cast %broadcast_in_dim3A_804 : vector<2048x1xi32> to vector<1x2048x1xi32>
    tpu.vector_store %arg4[%swap3A, %swap3A_820, %swap3A_821], %swap3A_824 {strides = array<i32>} : memref<1x2048x1xi32, #tpu.memory_space<vmem>>, vector<1x2048x1xi32>,
    %swap3A_825 = arith.constant 0 : index
    %swap3A_826 = arith.constant 0 : index
    %swap3A_827 = arith.constant 0 : index
    %swap3A_828 = vector.load %arg5[%swap3A_825, %swap3A_826, %swap3A_827] : memref<1x2048x1xi32, #tpu.memory_space<vmem>>, vector<1x2048x1xi32>
    %swap3A_829 = vector.shape_cast %swap3A_828 : vector<1x2048x1xi32> to vector<2048x1xi32>
    %swap3A_830 = vector.shape_cast %broadcast_in_dim3A_819 : vector<2048x1xi32> to vector<1x2048x1xi32>
    tpu.vector_store %arg5[%swap3A_825, %swap3A_826, %swap3A_827], %swap3A_830 {strides = array<i32>} : memref<1x2048x1xi32, #tpu.memory_space<vmem>>, vector<1x2048x1xi32>,
    %mul3A_831 = arith.constant 2048 : i32
    %mul3A_832 = arith.muli %arg0, %mul3A_831 : i32
    %add3A_833 = vector.broadcast %mul3A_832 : i32 to vector<2048x1xi32>
    %add3A_834 = arith.addi %broadcast_in_dim3A_804, %add3A_833 : vector<2048x1xi32>
    %swap3A_835 = arith.constant 0 : index
    %swap3A_836 = arith.constant 0 : index
    %swap3A_837 = arith.constant 0 : index
    %swap3A_838 = vector.load %arg6[%swap3A_835, %swap3A_836, %swap3A_837] : memref<1x2048x1xi32, #tpu.memory_space<vmem>>, vector<1x2048x1xi32>
    %swap3A_839 = vector.shape_cast %swap3A_838 : vector<1x2048x1xi32> to vector<2048x1xi32>
    %swap3A_840 = vector.shape_cast %add3A_834 : vector<2048x1xi32> to vector<1x2048x1xi32>
    tpu.vector_store %arg6[%swap3A_835, %swap3A_836, %swap3A_837], %swap3A_840 {strides = array<i32>} : memref<1x2048x1xi32, #tpu.memory_space<vmem>>, vector<1x2048x1xi32>,
    %add3A_841 = vector.broadcast %mul3A_832 : i32 to vector<2048x1xi32>
    %add3A_842 = arith.addi %broadcast_in_dim3A_819, %add3A_841 : vector<2048x1xi32>
    %swap3A_843 = arith.constant 0 : index
    %swap3A_844 = arith.constant 0 : index
    %swap3A_845 = arith.constant 0 : index
    %swap3A_846 = vector.load %arg7[%swap3A_843, %swap3A_844, %swap3A_845] : memref<1x2048x1xi32, #tpu.memory_space<vmem>>, vector<1x2048x1xi32>
    %swap3A_847 = vector.shape_cast %swap3A_846 : vector<1x2048x1xi32> to vector<2048x1xi32>
    %swap3A_848 = vector.shape_cast %add3A_842 : vector<2048x1xi32> to vector<1x2048x1xi32>
    tpu.vector_store %arg7[%swap3A_843, %swap3A_844, %swap3A_845], %swap3A_848 {strides = array<i32>} : memref<1x2048x1xi32, #tpu.memory_space<vmem>>, vector<1x2048x1xi32>,
    return
  }
  func.func @transform_0(%arg0: i32, %arg1: i32) -> (i32, i32, i32) {
    %c0_i32 = arith.constant 0 : i32
    %c0_i32_0 = arith.constant 0 : i32
    return %arg0, %arg1, %c0_i32 : i32, i32, i32
  }
  func.func @transform_1(%arg0: i32, %arg1: i32) -> (i32, i32, i32) {
    %c0_i32 = arith.constant 0 : i32
    %c0_i32_0 = arith.constant 0 : i32
    %c0_i32_1 = arith.constant 0 : i32
    return %arg0, %c0_i32, %c0_i32_0 : i32, i32, i32
  }
  func.func @transform_2(%arg0: i32, %arg1: i32) -> (i32, i32, i32) {
    %c0_i32 = arith.constant 0 : i32
    %c0_i32_0 = arith.constant 0 : i32
    return %arg0, %arg1, %c0_i32 : i32, i32, i32
  }
  func.func @transform_3(%arg0: i32, %arg1: i32) -> (i32, i32, i32) {
    %c0_i32 = arith.constant 0 : i32
    %c0_i32_0 = arith.constant 0 : i32
    return %arg0, %arg1, %c0_i32 : i32, i32, i32
  }
  func.func @transform_4(%arg0: i32, %arg1: i32) -> (i32, i32, i32) {
    %c0_i32 = arith.constant 0 : i32
    %c0_i32_0 = arith.constant 0 : i32
    return %arg0, %arg1, %c0_i32 : i32, i32, i32
  }
  func.func @transform_5(%arg0: i32, %arg1: i32) -> (i32, i32, i32) {
    %c0_i32 = arith.constant 0 : i32
    %c0_i32_0 = arith.constant 0 : i32
    return %arg0, %arg1, %c0_i32 : i32, i32, i32
  }
}

</mosaic_0001>

<sc_bundles>
// kernel: kernel.4.cloned.1.call-start
scs
__scs_entry_jumppad:
0x0: {  	(pc) =	sbr.rel $0x88, $3  }
0x1: {  	(tag) =	ssettag $0x0;
	lr =	simm.s32 $0x1  }
0x2: {  	[smem:$0x3FA0] =	sst lr;
	_ =	strace $0xD0000000  }
0x3: {  	_ = 	snop  }
0x4: {  	_ = 	snop  }
0x5: {  	_ = 	snop  }
0x6: {  	_ = 	snop  }
0x7: {  	_ = 	snop  }
__scs_overlays_trampoline_lowered:
0x8: {  	[smem:$0x3FAF] =	sst s0  }
0x9: {  	[smem:$0x3FB0] =	sst s1  }
0xa: {  	[smem:$0x3FB1] =	sst s2  }
0xb: {  	[smem:$0x3FB2] =	sst s3  }
0xc: {  	[smem:$0x3FB3] =	sst s4  }
0xd: {  	[smem:$0x3FB4] =	sst s5  }
0xe: {  	[smem:$0x3FB5] =	sst s6  }
0xf: {  	[smem:$0x3FB6] =	sst s7  }
0x10: {  	[smem:$0x3FB7] =	sst s8  }
0x11: {  	[smem:$0x3FB8] =	sst s9;
	s0 =	simm.s32 @!p0 $0x0  }
0x12: {  	s1 =	sld [smem:$0x3F9E];
	s0 =	simm.s32 @p0 $0x1  }
0x13: {  	[smem:$0x3FB9] =	sst s0;
	s0 =	simm.s32 @!p1 $0x0  }
0x14: {  	s2 =	sld [smem:$0x3F9D];
	s0 =	simm.s32 @p1 $0x1  }
0x15: {  	[smem:$0x3FBA] =	sst s0;
	s0 =	simm.s32 @!p2 $0x0  }
0x16: {  	s3 =	sld [smem:$0x3FDB];
	s0 =	simm.s32 @p2 $0x1  }
0x17: {  	s4 =	simm.s32 $0x1BF5;
	[smem:$0x3FBC] =	sst s0  }
0x18: {  	s0 =	sld [smem:$0x3F9F];
	_ =	swait.ge [sflag:s4], $0x0  }
0x19: {  	s7 =	sld [smem:$0x3FA0]  }
0x1a: {  	s8 =	sadd.s32 $0xFFFFE003, lr  }
0x1b: {  	s9 =	sadd.s32 $0xFFFFFEF7, lr;
	s5 =	simm.s32 $0xFFFFFFFF;
	p2 =	slt.u32 s8, $0xFFFFF086  }
0x1c: {  	p1 =	slt.u32 s9, $0xF7A;
	s5 =	simm.s32 @!p2 $0x0  }
0x1d: {  	s5 =	simm.s32 @p1 $0x1;
	p0 =	seq.s32 s7, s2  }
0x1e: {  	s7 =	smul.u32 @!p0 $0xF7A, s2;
	p2 =	seq.s32 @!p0 s5, $0x0  }
0x1f: {  	s9 =	smul.u32 $0xF7A, s1;
	s8 =	simm.s32 @!p0 $0x1BF5;
	p2 =	por !p2, p0  }
0x20: {  	[sflag:s8] =	ssyncset.s32 @!p0 $0xFFFFF086;
	s6 =	sadd.s32 @!p0 s3, s7;
	s7 =	simm.s32 @!p0 $0x108  }
0x21: {  	s3 =	sadd.s32 s3, s9;
	s6 =	sadd.s32 @!p0 $0x88, s6;
	s7 =	simm.s32 @p2 $0x1082  }
0x22: {  	[simem:s7], [sflag:s8] =	dma.local @!p0 [hbm:s6], $0xF7A  }
0x23: {  	s9 =	sor.u32 $0xD0000000, s2;
	s6 =	simm.s32 $0x108;
	_ =	swait.ge @!p0 [sflag:s8], $0x0  }
0x24: {  	s3 =	sadd.s32 $0x88, s3;
	s6 =	simm.s32 @!p1 $0x1082;
	[sflag:s4] =	ssyncset.s32 $0xFFFFF086  }
0x25: {  	[simem:s6], [sflag:s4] =	dma.local [hbm:s3], $0xF7A  }
0x26: {  	[smem:$0x3FA0] =	sst s1;
	(tag) =	ssettag s2;
	_ =	strace s9  }
0x27: {  	s1 =	sld [smem:$0x3FB0]  }
0x28: {  	s2 =	sld [smem:$0x3FB1]  }
0x29: {  	s4 =	sld [smem:$0x3FB3]  }
0x2a: {  	p0 =	seq.s32 s5, $0x0;
	s5 =	sld [smem:$0x3FB4]  }
0x2b: {  	s6 =	sld [smem:$0x3FB5]  }
0x2c: {  	s7 =	sld [smem:$0x3FB6]  }
0x2d: {  	s3 =	simm.s32 $0x108;
	s8 =	sld [smem:$0x3FB7]  }
0x2e: {  	s3 =	simm.s32 @!p0 $0x1082;
	s9 =	sld [smem:$0x3FB8]  }
0x2f: {  	lr =	sadd.s32 s0, s3;
	s0 =	sld [smem:$0x3FAF]  }
0x30: {  	s3 =	sld [smem:$0x3FB2]  }
0x31: {  	[smem:$0x3FBB] =	sst s10  }
0x32: {  	s10 =	sld [smem:$0x3FB9];
	_ =	sdelay $0x3  }
0x33: {  	p0 =	seq.s32 s10, $0x1;
	s10 =	sld [smem:$0x3FBB];
	_ =	sdelay $0x3  }
0x34: {  	[smem:$0x3FBB] =	sst s10  }
0x35: {  	s10 =	sld [smem:$0x3FBA];
	_ =	sdelay $0x3  }
0x36: {  	p1 =	seq.s32 s10, $0x1;
	s10 =	sld [smem:$0x3FBB];
	_ =	sdelay $0x3  }
0x37: {  	[smem:$0x3FBB] =	sst s10  }
0x38: {  	s10 =	sld [smem:$0x3FBC]  }
0x39: {  	_ = 	snop;
	(pc) =	sbr.ind lr, $3  }
0x3a: {  	_ = 	snop  }
0x3b: {  	_ = 	snop  }
0x3c: {  	p2 =	seq.s32 s10, $0x1;
	s10 =	sld [smem:$0x3FBB]  }
0x3d: {  	_ =	shalt  }
0x3e: {  	_ =	shalt  }
0x3f: {  	_ =	shalt  }
0x40: {  	_ =	shalt  }
0x41: {  	_ =	shalt  }
0x42: {  	_ =	shalt  }
0x43: {  	_ =	shalt  }
0x44: {  	_ =	shalt  }
0x45: {  	_ =	shalt  }
0x46: {  	_ =	shalt  }
0x47: {  	_ =	shalt  }
0x48: {  	_ =	shalt  }
0x49: {  	_ =	shalt  }
0x4a: {  	_ =	shalt  }
0x4b: {  	_ =	shalt  }
0x4c: {  	_ =	shalt  }
0x4d: {  	_ =	shalt  }
0x4e: {  	_ =	shalt  }
0x4f: {  	_ =	shalt  }
0x50: {  	_ =	shalt  }
0x51: {  	_ =	shalt  }
0x52: {  	_ =	shalt  }
0x53: {  	_ =	shalt  }
0x54: {  	_ =	shalt  }
0x55: {  	_ =	shalt  }
0x56: {  	_ =	shalt  }
0x57: {  	_ =	shalt  }
0x58: {  	_ =	shalt  }
0x59: {  	_ =	shalt  }
0x5a: {  	_ =	shalt  }
0x5b: {  	_ =	shalt  }
0x5c: {  	_ =	shalt  }
0x5d: {  	_ =	shalt  }
0x5e: {  	_ =	shalt  }
0x5f: {  	_ =	shalt  }
0x60: {  	_ =	shalt  }
0x61: {  	_ =	shalt  }
0x62: {  	_ =	shalt  }
0x63: {  	_ =	shalt  }
0x64: {  	_ =	shalt  }
0x65: {  	_ =	shalt  }
0x66: {  	_ =	shalt  }
0x67: {  	_ =	shalt  }
0x68: {  	_ =	shalt  }
0x69: {  	_ =	shalt  }
0x6a: {  	_ =	shalt  }
0x6b: {  	_ =	shalt  }
0x6c: {  	_ =	shalt  }
0x6d: {  	_ =	shalt  }
0x6e: {  	_ =	shalt  }
0x6f: {  	_ =	shalt  }
0x70: {  	_ =	shalt  }
0x71: {  	_ =	shalt  }
0x72: {  	_ =	shalt  }
0x73: {  	_ =	shalt  }
0x74: {  	_ =	shalt  }
0x75: {  	_ =	shalt  }
0x76: {  	_ =	shalt  }
0x77: {  	_ =	shalt  }
0x78: {  	_ =	shalt  }
0x79: {  	_ =	shalt  }
0x7a: {  	_ =	shalt  }
0x7b: {  	_ =	shalt  }
0x7c: {  	_ =	shalt  }
0x7d: {  	_ =	shalt  }
0x7e: {  	_ =	shalt  }
0x7f: {  	_ =	shalt  }
0x80: {  	_ =	shalt  }
0x81: {  	_ =	shalt  }
0x82: {  	_ =	shalt  }
0x83: {  	_ =	shalt  }
0x84: {  	_ =	shalt  }
0x85: {  	_ =	shalt  }
0x86: {  	_ =	shalt  }
0x87: {  	_ =	shalt  }
.Lfunc_end0:
.L_simem_size_0:
called_computation_lowered:
.L_overlay_start_0:
0x88: {  	s2 =	sld [smem:$0x3FD9]  }
0x89: {  	s3 =	sld [smem:$0x3FFE];
	_ =	sdelay $0x1  }
0x8a: {  	s1 =	srdreg.scid  }
0x8b: {  	s0 =	sand.u32 $0x1, s1  }
0x8c: {  	s14 =	sshll.u32 s0, $0xA;
	s2 =	sadd.s32 s3, s2  }
0x8d: {  	s2 =	sadd.s32 s2, s14  }
0x8e: {  	[smem:$0x3FC7] =	sst s2  }
0x8f: {  	_ = 	snop  }
0x90: {  	s2 =	sld [smem:$0x3FD0];
	_ =	sdelay $0x2  }
0x91: {  	s15 =	simm.s32 $0xA;
	s4 =	simm.s32 $0x10  }
0x92: {  	[smem:s4], [sflag:s15] =	dma.local [hbm:s2], $0x1  }
0x93: {  	_ =	swait.eq [sflag:s15], $0x1  }
0x94: {  	[sflag:s15] =	ssyncset.done $0x0  }
0x95: {  	s16 =	sld [smem:$0x10];
	[sflag:s15] =	ssyncadd.s32 $0xFFFFFFFF  }
0x96: {  	s17 =	sld [smem:$0x11];
	(tm) =	ssettm $0x1  }
0x97: {  	s18 =	sld [smem:$0x3FFB];
	_ =	sdelay $0x3  }
0x98: {  	_ =	strace s18  }
0x99: {  	s4 =	sld [smem:$0x3FFC];
	_ =	sdelay $0x3  }
0x9a: {  	_ =	strace s4  }
0x9b: {  	s4 =	sld [smem:$0x3FFD];
	_ =	sdelay $0x3  }
0x9c: {  	_ =	strace s4  }
0x9d: {  	_ =	strace $0x8FFFFFFF  }
0x9e: {  	s19 =	sld [smem:$0x3FDB];
	_ =	sdelay $0x1  }
0x9f: {  	s5 =	simm.s32 $_scs_section_size  }
0xa0: {  	s6 =	simm.s32 $_size__tile_overlayer_lowered;
	s7 =	simm.s32 $_tile_overlayer_lowered  }
0xa1: {  	s22 =	simm.s32 $0x1BFF;
	s21 =	sshll.u32 s7, $0x1;
	s4 =	sadd.s32 s5, s19  }
0xa2: {  	s8 =	simm.s32 $0x0;
	s20 =	sshll.u32 s6, $0x1;
	s6 =	sadd.s32 s21, s4  }
0xa3: {  	[timem:s8], [sflag:s22] =	dma.local [hbm:s6], s20  }
0xa4: {  	_ =	swait.ge [sflag:s22], s20  }
0xa5: {  	s5 =	ssub.s32 $0x0, s20;
	[sflag:s22] =	ssyncset.done $0x0  }
0xa6: {  	[sflag:s22] =	ssyncadd.s32 s5;
	_ =	sdelay $0x1  }
0xa7: {  	s23 =	simm.s32 $0x1B8B  }
0xa8: {  	_ =	swait.ge [sflag:s23], $0x1  }
0xa9: {  	[sflag:s23] =	ssyncset.done $0x0  }
0xaa: {  	s25 =	simm.s32 $0x1B8E;
	s24 =	sld [smem:$0x3FFE];
	[sflag:s23] =	ssyncadd.s32 $0xFFFFFFFF  }
0xab: {  	s26 =	simm.s32 $execute0_lowered;
	[smem:$0x3FD2] =	sst s25  }
0xac: {  	s6 =	sshll.u32 s26, $0x1;
	_ =	strace $0x80000046;
	[dreg:$0x1] =	wrdreg $0xFFFFFFFF  }
0xad: {  	s28 =	simm.s32 $_size_execute0_lowered;
	s4 =	sadd.s32 s4, s6;
	[dreg:$0x0] =	wrdreg $0x0  }
0xae: {  	s6 =	sshll.u32 s28, $0x1;
	[dreg:$0x2] =	wrdreg s4  }
0xaf: {  	[dreg:$0x3] =	wrdreg s6  }
0xb0: {  	[dreg:$0x4] =	wrdreg $0xC0  }
0xb1: {  	_ =	task [dreg:s8], $0x5FFFF  }
0xb2: {  	[dreg:$0x1] =	wrdreg $0xFFFFFFFF  }
0xb3: {  	[dreg:$0x0] =	wrdreg $0x60  }
0xb4: {  	[dreg:$0x2] =	wrdreg s24  }
0xb5: {  	[dreg:$0x3] =	wrdreg s17  }
0xb6: {  	[dreg:$0x4] =	wrdreg s16  }
0xb7: {  	[dreg:$0x5] =	wrdreg $0x9  }
0xb8: {  	_ =	task.clear_ibuf [dreg:s8], $0x6FFFF;
	_ =	strace $0x90000046  }
0xb9: {  	s29 =	simm.s32 $0x9;
	_ =	strace $0x80000048  }
0xba: {  	_ =	swait.ge [sflag:s29], $0x1  }
0xbb: {  	[sflag:s29] =	ssyncadd.s32 $0xFFFFFFFF  }
0xbc: {  	_ =	strace $0x90000048  }
0xbd: {  	_ =	sfence  }
0xbe: {  	s30 =	sld [smem:$0x0];
	_ =	sdelay $0x2  }
0xbf: {  	s31 =	sshll.u32 s1, $0xD;
	s1 =	sshrl.u32 s1, $0x2  }
0xc0: {  	s3 =	sand.u32 $0x4000, s31;
	s1 =	sadd.s32 s1, s30  }
0xc1: {  	s0 =	sor.u32 s3, s0;
	s1 =	sshll.u32 s1, $0x11  }
0xc2: {  	s0 =	sor.u32 s1, s0  }
0xc3: {  	s0 =	sadd.s32 $0x8F2B, s0  }
0xc4: {  	[sflag:s0] =	ssyncadd.remote.s32 $0x1  }
0xc5: {  	_ =	sfence.sel $0xFFFF  }
0xc6: {  	[dreg:$0x0] =	wrdreg $0xFFFFFFFF;
	(pc) =	sbr.abs _section_cstart, $3  }
0xc7: {  	[dreg:$0x1] =	wrdreg $0xFFFFFFFF  }
0xc8: {  	_ =	task.clear_ibuf [dreg:s8], $0x2FFFF;
	_ =	strace $0x9FFFFFFF  }
0xc9: {  	(tm) =	ssettm $0x7FFFFFFF  }
tec
execute0_lowered:
.L_overlay_start_1:
0x0: {  	(tag) =	ssettag $0x1  }
0x1: {  	s1 =	rddreg [dreg:$0x0]  }
0x2: {  	s4 =	rddreg [dreg:$0x1]  }
0x3: {  	s5 =	rddreg [dreg:$0x2]  }
0x4: {  	s0 =	rddreg [dreg:$0x3];
	s6 =	srdreg.scid  }
0x5: {  	s2 =	stileid.u32;
	s3 =	simm.s32 $0x0;
	s10 =	simm.s32 $0x2  }
0x6: {  	s11 =	simm.s32 $0x8100;
	s12 =	simm.s32 $0x1;
	s13 =	simm.s32 $0x8200  }
0x7: {  	s14 =	simm.s32 $0x8600;
	s6 =	sand.u32 $0x1, s6;
	s7 =	sshll.u32 s2, $0x1  }
0x8: {  	[smem:$0x7FF] =	sst s3;
	s7 =	sor.u32 s6, s7;
	s6 =	ssub.s32 $0x2, s6  }
0x9: {  	_ =	strace $0x80000047;
	s8 =	sshll.u32 s7, $0x7;
	s9 =	sshrl.u32 s6, $0x1  }
0xa: {  	s7 =	sshll.u32 s7, $0x5;
	s8 =	sadd.s32 s8, s1;
	s9 =	ssub.s32 s6, s9  }
0xb: {  	s4 =	sadd.s32 s4, s7;
	s5 =	sadd.s32 s5, s7;
	s6 =	sadd.s32 $0x1000, s8  }
0xc: {  	s7 =	sadd.s32 $0x2000, s8;
	s8 =	smax.u32 s9, $0x1;
	s9 =	simm.s32 $0x8000  }
.LBB2_1:
0xd: {  	[tilespmem:s3], [sflag:$0x1] =	stream.linear.gather [hbm4b:s1+s3], $0x8000, $0x38;
	[tilespmem:$0x8A00] =	vst v63  }
0xe: {  	_ = 	snop  }
0xf: {  	[tilespmem:s9], [sflag:$0x2] =	stream.linear.gather [hbm4b:s4+s3], $0x100, $0x38;
	[tilespmem:$0x8A00] =	vst v63  }
0x10: {  	_ =	swait.ge [sflag:s10], $0x100  }
0x11: {  	[sflag:s10] =	ssyncset.done $0x0  }
0x12: {  	[sflag:s10] =	ssyncadd.s32 $0xFFFFFF00  }
0x13: {  	[tilespmem:s11], [sflag:$0x2] =	stream.linear.gather [hbm4b:s5+s3], $0x100, $0x38;
	[tilespmem:$0x8A00] =	vst v63  }
0x14: {  	_ =	swait.ge [sflag:s10], $0x100  }
0x15: {  	[sflag:s10] =	ssyncset.done $0x0  }
0x16: {  	[sflag:s10] =	ssyncadd.s32 $0xFFFFFF00  }
0x17: {  	_ =	swait.ge [sflag:s12], $0x8000  }
0x18: {  	[sflag:s12] =	ssyncset.done $0x0  }
0x19: {  	[sflag:s12] =	ssyncadd.s32 $0xFFFF8000  }
0x1a: {  	v0 =	vld [tilespmem:$0x8000];
	_ =	sdelay $0x4  }
0x1b: {  	v1 =	vshll.u32 v0, $0x2  }
0x1c: {  	v0 =	vand.u32 $0x7F, v0;
	v1 =	vand.u32 $0xFFFFFE00, v1  }
0x1d: {  	v0 =	vor.u32 v0, v1;
	_ =	sdelay $0x4  }
0x1e: {  	v1 =	vld.idx.msk [tilespmem:v0+s3+$0x0], $0xffff  }
0x1f: {  	v2 =	vor.u32 $0x80, v0;
	_ =	sdelay $0x3  }
0x20: {  	v62 =	vld [tilespmem:$0x8010];
	[tilespmem:$0x8200] =	vst v1  }
0x21: {  	v1 =	vld.idx.msk [tilespmem:v2+s3+$0x0], $0xffff  }
0x22: {  	v0 =	vor.u32 $0x100, v0;
	_ =	sdelay $0x3  }
0x23: {  	v63 =	vshll.u32 v62, $0x2;
	[tilespmem:$0x8280] =	vst v1  }
0x24: {  	v2 =	vand.u32 $0x7F, v62;
	v1 =	vand.u32 $0xFFFFFE00, v63;
	v0 =	vld.idx.msk [tilespmem:v0+s3+$0x0], $0xffff  }
0x25: {  	v1 =	vor.u32 v2, v1;
	_ =	sdelay $0x3  }
0x26: {  	[tilespmem:$0x8300] =	vst v0  }
0x27: {  	v0 =	vld.idx.msk [tilespmem:v1+s3+$0x0], $0xffff  }
0x28: {  	v2 =	vor.u32 $0x80, v1;
	_ =	sdelay $0x3  }
0x29: {  	v4 =	vld [tilespmem:$0x8020];
	[tilespmem:$0x8210] =	vst v0  }
0x2a: {  	v0 =	vld.idx.msk [tilespmem:v2+s3+$0x0], $0xffff  }
0x2b: {  	v1 =	vor.u32 $0x100, v1;
	_ =	sdelay $0x3  }
0x2c: {  	v5 =	vshll.u32 v4, $0x2;
	[tilespmem:$0x8290] =	vst v0  }
0x2d: {  	v2 =	vand.u32 $0x7F, v4;
	v0 =	vand.u32 $0xFFFFFE00, v5;
	v1 =	vld.idx.msk [tilespmem:v1+s3+$0x0], $0xffff  }
0x2e: {  	v0 =	vor.u32 v2, v0;
	_ =	sdelay $0x3  }
0x2f: {  	[tilespmem:$0x8310] =	vst v1  }
0x30: {  	v1 =	vld.idx.msk [tilespmem:v0+s3+$0x0], $0xffff  }
0x31: {  	v2 =	vor.u32 $0x80, v0;
	_ =	sdelay $0x3  }
0x32: {  	v6 =	vld [tilespmem:$0x8030];
	[tilespmem:$0x8220] =	vst v1  }
0x33: {  	v1 =	vld.idx.msk [tilespmem:v2+s3+$0x0], $0xffff  }
0x34: {  	v0 =	vor.u32 $0x100, v0;
	_ =	sdelay $0x3  }
0x35: {  	v7 =	vshll.u32 v6, $0x2;
	[tilespmem:$0x82A0] =	vst v1  }
0x36: {  	v2 =	vand.u32 $0x7F, v6;
	v1 =	vand.u32 $0xFFFFFE00, v7;
	v0 =	vld.idx.msk [tilespmem:v0+s3+$0x0], $0xffff  }
0x37: {  	v1 =	vor.u32 v2, v1;
	_ =	sdelay $0x3  }
0x38: {  	[tilespmem:$0x8320] =	vst v0  }
0x39: {  	v0 =	vld.idx.msk [tilespmem:v1+s3+$0x0], $0xffff  }
0x3a: {  	v2 =	vor.u32 $0x80, v1;
	_ =	sdelay $0x3  }
0x3b: {  	v8 =	vld [tilespmem:$0x8040];
	[tilespmem:$0x8230] =	vst v0  }
0x3c: {  	v0 =	vld.idx.msk [tilespmem:v2+s3+$0x0], $0xffff  }
0x3d: {  	v1 =	vor.u32 $0x100, v1;
	_ =	sdelay $0x3  }
0x3e: {  	v9 =	vshll.u32 v8, $0x2;
	[tilespmem:$0x82B0] =	vst v0  }
0x3f: {  	v2 =	vand.u32 $0x7F, v8;
	v0 =	vand.u32 $0xFFFFFE00, v9;
	v1 =	vld.idx.msk [tilespmem:v1+s3+$0x0], $0xffff  }
0x40: {  	v0 =	vor.u32 v2, v0;
	_ =	sdelay $0x3  }
0x41: {  	[tilespmem:$0x8330] =	vst v1  }
0x42: {  	v1 =	vld.idx.msk [tilespmem:v0+s3+$0x0], $0xffff  }
0x43: {  	v2 =	vor.u32 $0x80, v0;
	_ =	sdelay $0x3  }
0x44: {  	v10 =	vld [tilespmem:$0x8050];
	[tilespmem:$0x8240] =	vst v1  }
0x45: {  	v1 =	vld.idx.msk [tilespmem:v2+s3+$0x0], $0xffff  }
0x46: {  	v0 =	vor.u32 $0x100, v0;
	_ =	sdelay $0x3  }
0x47: {  	v11 =	vshll.u32 v10, $0x2;
	[tilespmem:$0x82C0] =	vst v1  }
0x48: {  	v2 =	vand.u32 $0x7F, v10;
	v1 =	vand.u32 $0xFFFFFE00, v11;
	v0 =	vld.idx.msk [tilespmem:v0+s3+$0x0], $0xffff  }
0x49: {  	v1 =	vor.u32 v2, v1;
	_ =	sdelay $0x3  }
0x4a: {  	[tilespmem:$0x8340] =	vst v0  }
0x4b: {  	v0 =	vld.idx.msk [tilespmem:v1+s3+$0x0], $0xffff  }
0x4c: {  	v2 =	vor.u32 $0x80, v1;
	_ =	sdelay $0x3  }
0x4d: {  	v12 =	vld [tilespmem:$0x8060];
	[tilespmem:$0x8250] =	vst v0  }
0x4e: {  	v0 =	vld.idx.msk [tilespmem:v2+s3+$0x0], $0xffff  }
0x4f: {  	v1 =	vor.u32 $0x100, v1;
	_ =	sdelay $0x3  }
0x50: {  	v13 =	vshll.u32 v12, $0x2;
	[tilespmem:$0x82D0] =	vst v0  }
0x51: {  	v2 =	vand.u32 $0x7F, v12;
	v0 =	vand.u32 $0xFFFFFE00, v13;
	v1 =	vld.idx.msk [tilespmem:v1+s3+$0x0], $0xffff  }
0x52: {  	v0 =	vor.u32 v2, v0;
	_ =	sdelay $0x3  }
0x53: {  	[tilespmem:$0x8350] =	vst v1  }
0x54: {  	v1 =	vld.idx.msk [tilespmem:v0+s3+$0x0], $0xffff  }
0x55: {  	v2 =	vor.u32 $0x80, v0;
	_ =	sdelay $0x3  }
0x56: {  	v14 =	vld [tilespmem:$0x8070];
	[tilespmem:$0x8260] =	vst v1  }
0x57: {  	v1 =	vld.idx.msk [tilespmem:v2+s3+$0x0], $0xffff  }
0x58: {  	v0 =	vor.u32 $0x100, v0;
	_ =	sdelay $0x3  }
0x59: {  	v15 =	vshll.u32 v14, $0x2;
	[tilespmem:$0x82E0] =	vst v1  }
0x5a: {  	v2 =	vand.u32 $0x7F, v14;
	v1 =	vand.u32 $0xFFFFFE00, v15;
	v0 =	vld.idx.msk [tilespmem:v0+s3+$0x0], $0xffff  }
0x5b: {  	v1 =	vor.u32 v2, v1;
	_ =	sdelay $0x3  }
0x5c: {  	[tilespmem:$0x8360] =	vst v0  }
0x5d: {  	v0 =	vld.idx.msk [tilespmem:v1+s3+$0x0], $0xffff  }
0x5e: {  	v2 =	vor.u32 $0x80, v1;
	_ =	sdelay $0x3  }
0x5f: {  	v16 =	vld [tilespmem:$0x8080];
	[tilespmem:$0x8270] =	vst v0  }
0x60: {  	v0 =	vld.idx.msk [tilespmem:v2+s3+$0x0], $0xffff  }
0x61: {  	v1 =	vor.u32 $0x100, v1;
	_ =	sdelay $0x3  }
0x62: {  	v17 =	vshll.u32 v16, $0x2;
	[tilespmem:$0x82F0] =	vst v0  }
0x63: {  	v2 =	vand.u32 $0x7F, v16;
	v0 =	vand.u32 $0xFFFFFE00, v17;
	v1 =	vld.idx.msk [tilespmem:v1+s3+$0x0], $0xffff  }
0x64: {  	v0 =	vor.u32 v2, v0;
	_ =	sdelay $0x3  }
0x65: {  	[tilespmem:$0x8370] =	vst v1  }
0x66: {  	v1 =	vld.idx.msk [tilespmem:v0+s3+$0x0], $0xffff  }
0x67: {  	v2 =	vor.u32 $0x80, v0;
	_ =	sdelay $0x3  }
0x68: {  	v18 =	vld [tilespmem:$0x8090];
	[tilespmem:$0x8400] =	vst v1  }
0x69: {  	v1 =	vld.idx.msk [tilespmem:v2+s3+$0x0], $0xffff  }
0x6a: {  	v0 =	vor.u32 $0x100, v0;
	_ =	sdelay $0x3  }
0x6b: {  	v19 =	vshll.u32 v18, $0x2;
	[tilespmem:$0x8480] =	vst v1  }
0x6c: {  	v2 =	vand.u32 $0x7F, v18;
	v1 =	vand.u32 $0xFFFFFE00, v19;
	v0 =	vld.idx.msk [tilespmem:v0+s3+$0x0], $0xffff  }
0x6d: {  	v1 =	vor.u32 v2, v1;
	_ =	sdelay $0x3  }
0x6e: {  	[tilespmem:$0x8500] =	vst v0  }
0x6f: {  	v0 =	vld.idx.msk [tilespmem:v1+s3+$0x0], $0xffff  }
0x70: {  	v2 =	vor.u32 $0x80, v1;
	_ =	sdelay $0x3  }
0x71: {  	v20 =	vld [tilespmem:$0x80A0];
	[tilespmem:$0x8410] =	vst v0  }
0x72: {  	v0 =	vld.idx.msk [tilespmem:v2+s3+$0x0], $0xffff  }
0x73: {  	v1 =	vor.u32 $0x100, v1;
	_ =	sdelay $0x3  }
0x74: {  	v21 =	vshll.u32 v20, $0x2;
	[tilespmem:$0x8490] =	vst v0  }
0x75: {  	v2 =	vand.u32 $0x7F, v20;
	v0 =	vand.u32 $0xFFFFFE00, v21;
	v1 =	vld.idx.msk [tilespmem:v1+s3+$0x0], $0xffff  }
0x76: {  	v0 =	vor.u32 v2, v0;
	_ =	sdelay $0x3  }
0x77: {  	[tilespmem:$0x8510] =	vst v1  }
0x78: {  	v1 =	vld.idx.msk [tilespmem:v0+s3+$0x0], $0xffff  }
0x79: {  	v2 =	vor.u32 $0x80, v0;
	_ =	sdelay $0x3  }
0x7a: {  	v22 =	vld [tilespmem:$0x80B0];
	[tilespmem:$0x8420] =	vst v1  }
0x7b: {  	v1 =	vld.idx.msk [tilespmem:v2+s3+$0x0], $0xffff  }
0x7c: {  	v0 =	vor.u32 $0x100, v0;
	_ =	sdelay $0x3  }
0x7d: {  	v23 =	vshll.u32 v22, $0x2;
	[tilespmem:$0x84A0] =	vst v1  }
0x7e: {  	v2 =	vand.u32 $0x7F, v22;
	v1 =	vand.u32 $0xFFFFFE00, v23;
	v0 =	vld.idx.msk [tilespmem:v0+s3+$0x0], $0xffff  }
0x7f: {  	v1 =	vor.u32 v2, v1;
	_ =	sdelay $0x3  }
0x80: {  	[tilespmem:$0x8520] =	vst v0  }
0x81: {  	v0 =	vld.idx.msk [tilespmem:v1+s3+$0x0], $0xffff  }
0x82: {  	v2 =	vor.u32 $0x80, v1;
	_ =	sdelay $0x3  }
0x83: {  	v24 =	vld [tilespmem:$0x80C0];
	[tilespmem:$0x8430] =	vst v0  }
0x84: {  	v0 =	vld.idx.msk [tilespmem:v2+s3+$0x0], $0xffff  }
0x85: {  	v1 =	vor.u32 $0x100, v1;
	_ =	sdelay $0x3  }
0x86: {  	v25 =	vshll.u32 v24, $0x2;
	[tilespmem:$0x84B0] =	vst v0  }
0x87: {  	v2 =	vand.u32 $0x7F, v24;
	v0 =	vand.u32 $0xFFFFFE00, v25;
	v1 =	vld.idx.msk [tilespmem:v1+s3+$0x0], $0xffff  }
0x88: {  	v0 =	vor.u32 v2, v0;
	_ =	sdelay $0x3  }
0x89: {  	[tilespmem:$0x8530] =	vst v1  }
0x8a: {  	v1 =	vld.idx.msk [tilespmem:v0+s3+$0x0], $0xffff  }
0x8b: {  	v2 =	vor.u32 $0x80, v0;
	_ =	sdelay $0x3  }
0x8c: {  	v26 =	vld [tilespmem:$0x80D0];
	[tilespmem:$0x8440] =	vst v1  }
0x8d: {  	v1 =	vld.idx.msk [tilespmem:v2+s3+$0x0], $0xffff  }
0x8e: {  	v0 =	vor.u32 $0x100, v0;
	_ =	sdelay $0x3  }
0x8f: {  	v27 =	vshll.u32 v26, $0x2;
	[tilespmem:$0x84C0] =	vst v1  }
0x90: {  	v2 =	vand.u32 $0x7F, v26;
	v1 =	vand.u32 $0xFFFFFE00, v27;
	v0 =	vld.idx.msk [tilespmem:v0+s3+$0x0], $0xffff  }
0x91: {  	v1 =	vor.u32 v2, v1;
	_ =	sdelay $0x3  }
0x92: {  	[tilespmem:$0x8540] =	vst v0  }
0x93: {  	v0 =	vld.idx.msk [tilespmem:v1+s3+$0x0], $0xffff  }
0x94: {  	v2 =	vor.u32 $0x80, v1;
	_ =	sdelay $0x3  }
0x95: {  	v28 =	vld [tilespmem:$0x80E0];
	[tilespmem:$0x8450] =	vst v0  }
0x96: {  	v0 =	vld.idx.msk [tilespmem:v2+s3+$0x0], $0xffff  }
0x97: {  	v1 =	vor.u32 $0x100, v1;
	_ =	sdelay $0x3  }
0x98: {  	v29 =	vshll.u32 v28, $0x2;
	[tilespmem:$0x84D0] =	vst v0  }
0x99: {  	v2 =	vand.u32 $0x7F, v28;
	v0 =	vand.u32 $0xFFFFFE00, v29;
	v1 =	vld.idx.msk [tilespmem:v1+s3+$0x0], $0xffff  }
0x9a: {  	v0 =	vor.u32 v2, v0;
	_ =	sdelay $0x3  }
0x9b: {  	[tilespmem:$0x8550] =	vst v1  }
0x9c: {  	v1 =	vld.idx.msk [tilespmem:v0+s3+$0x0], $0xffff  }
0x9d: {  	v2 =	vor.u32 $0x80, v0;
	_ =	sdelay $0x3  }
0x9e: {  	v30 =	vld [tilespmem:$0x80F0];
	[tilespmem:$0x8460] =	vst v1  }
0x9f: {  	v1 =	vld.idx.msk [tilespmem:v2+s3+$0x0], $0xffff  }
0xa0: {  	v0 =	vor.u32 $0x100, v0;
	_ =	sdelay $0x3  }
0xa1: {  	v31 =	vshll.u32 v30, $0x2;
	[tilespmem:$0x84E0] =	vst v1  }
0xa2: {  	v2 =	vand.u32 $0x7F, v30;
	v1 =	vand.u32 $0xFFFFFE00, v31;
	v0 =	vld.idx.msk [tilespmem:v0+s3+$0x0], $0xffff  }
0xa3: {  	v1 =	vor.u32 v2, v1;
	_ =	sdelay $0x3  }
0xa4: {  	[tilespmem:$0x8560] =	vst v0  }
0xa5: {  	v0 =	vld.idx.msk [tilespmem:v1+s3+$0x0], $0xffff  }
0xa6: {  	v2 =	vor.u32 $0x80, v1;
	_ =	sdelay $0x3  }
0xa7: {  	v32 =	vld [tilespmem:$0x8100];
	[tilespmem:$0x8470] =	vst v0  }
0xa8: {  	v0 =	vld.idx.msk [tilespmem:v2+s3+$0x0], $0xffff  }
0xa9: {  	v1 =	vor.u32 $0x100, v1;
	_ =	sdelay $0x3  }
0xaa: {  	v33 =	vshll.u32 v32, $0x2;
	[tilespmem:$0x84F0] =	vst v0  }
0xab: {  	v2 =	vand.u32 $0x7F, v32;
	v0 =	vand.u32 $0xFFFFFE00, v33;
	v1 =	vld.idx.msk [tilespmem:v1+s3+$0x0], $0xffff  }
0xac: {  	v0 =	vor.u32 v2, v0;
	_ =	sdelay $0x3  }
0xad: {  	[tilespmem:$0x8570] =	vst v1  }
0xae: {  	v1 =	vld.idx.msk [tilespmem:v0+s3+$0x0], $0xffff  }
0xaf: {  	v2 =	vor.u32 $0x80, v0;
	_ =	sdelay $0x3  }
0xb0: {  	v34 =	vld [tilespmem:$0x8110];
	[tilespmem:$0x8600] =	vst v1  }
0xb1: {  	v1 =	vld.idx.msk [tilespmem:v2+s3+$0x0], $0xffff  }
0xb2: {  	v0 =	vor.u32 $0x100, v0;
	_ =	sdelay $0x3  }
0xb3: {  	v35 =	vshll.u32 v34, $0x2;
	[tilespmem:$0x8680] =	vst v1  }
0xb4: {  	v2 =	vand.u32 $0x7F, v34;
	v1 =	vand.u32 $0xFFFFFE00, v35;
	v0 =	vld.idx.msk [tilespmem:v0+s3+$0x0], $0xffff  }
0xb5: {  	v1 =	vor.u32 v2, v1;
	_ =	sdelay $0x3  }
0xb6: {  	[tilespmem:$0x8700] =	vst v0  }
0xb7: {  	v0 =	vld.idx.msk [tilespmem:v1+s3+$0x0], $0xffff  }
0xb8: {  	v2 =	vor.u32 $0x80, v1;
	_ =	sdelay $0x3  }
0xb9: {  	v36 =	vld [tilespmem:$0x8120];
	[tilespmem:$0x8610] =	vst v0  }
0xba: {  	v0 =	vld.idx.msk [tilespmem:v2+s3+$0x0], $0xffff  }
0xbb: {  	v1 =	vor.u32 $0x100, v1;
	_ =	sdelay $0x3  }
0xbc: {  	v37 =	vshll.u32 v36, $0x2;
	[tilespmem:$0x8690] =	vst v0  }
0xbd: {  	v2 =	vand.u32 $0x7F, v36;
	v0 =	vand.u32 $0xFFFFFE00, v37;
	v1 =	vld.idx.msk [tilespmem:v1+s3+$0x0], $0xffff  }
0xbe: {  	v0 =	vor.u32 v2, v0;
	_ =	sdelay $0x3  }
0xbf: {  	[tilespmem:$0x8710] =	vst v1  }
0xc0: {  	v1 =	vld.idx.msk [tilespmem:v0+s3+$0x0], $0xffff  }
0xc1: {  	v2 =	vor.u32 $0x80, v0;
	_ =	sdelay $0x3  }
0xc2: {  	v38 =	vld [tilespmem:$0x8130];
	[tilespmem:$0x8620] =	vst v1  }
0xc3: {  	v1 =	vld.idx.msk [tilespmem:v2+s3+$0x0], $0xffff  }
0xc4: {  	v0 =	vor.u32 $0x100, v0;
	_ =	sdelay $0x3  }
0xc5: {  	v39 =	vshll.u32 v38, $0x2;
	[tilespmem:$0x86A0] =	vst v1  }
0xc6: {  	v2 =	vand.u32 $0x7F, v38;
	v1 =	vand.u32 $0xFFFFFE00, v39;
	v0 =	vld.idx.msk [tilespmem:v0+s3+$0x0], $0xffff  }
0xc7: {  	v1 =	vor.u32 v2, v1;
	_ =	sdelay $0x3  }
0xc8: {  	[tilespmem:$0x8720] =	vst v0  }
0xc9: {  	v0 =	vld.idx.msk [tilespmem:v1+s3+$0x0], $0xffff  }
0xca: {  	v2 =	vor.u32 $0x80, v1;
	_ =	sdelay $0x3  }
0xcb: {  	v40 =	vld [tilespmem:$0x8140];
	[tilespmem:$0x8630] =	vst v0  }
0xcc: {  	v0 =	vld.idx.msk [tilespmem:v2+s3+$0x0], $0xffff  }
0xcd: {  	v1 =	vor.u32 $0x100, v1;
	_ =	sdelay $0x3  }
0xce: {  	v41 =	vshll.u32 v40, $0x2;
	[tilespmem:$0x86B0] =	vst v0  }
0xcf: {  	v2 =	vand.u32 $0x7F, v40;
	v0 =	vand.u32 $0xFFFFFE00, v41;
	v1 =	vld.idx.msk [tilespmem:v1+s3+$0x0], $0xffff  }
0xd0: {  	v0 =	vor.u32 v2, v0;
	_ =	sdelay $0x3  }
0xd1: {  	[tilespmem:$0x8730] =	vst v1  }
0xd2: {  	v1 =	vld.idx.msk [tilespmem:v0+s3+$0x0], $0xffff  }
0xd3: {  	v2 =	vor.u32 $0x80, v0;
	_ =	sdelay $0x3  }
0xd4: {  	v42 =	vld [tilespmem:$0x8150];
	[tilespmem:$0x8640] =	vst v1  }
0xd5: {  	v1 =	vld.idx.msk [tilespmem:v2+s3+$0x0], $0xffff  }
0xd6: {  	v0 =	vor.u32 $0x100, v0;
	_ =	sdelay $0x3  }
0xd7: {  	v43 =	vshll.u32 v42, $0x2;
	[tilespmem:$0x86C0] =	vst v1  }
0xd8: {  	v2 =	vand.u32 $0x7F, v42;
	v1 =	vand.u32 $0xFFFFFE00, v43;
	v0 =	vld.idx.msk [tilespmem:v0+s3+$0x0], $0xffff  }
0xd9: {  	v1 =	vor.u32 v2, v1;
	_ =	sdelay $0x3  }
0xda: {  	[tilespmem:$0x8740] =	vst v0  }
0xdb: {  	v0 =	vld.idx.msk [tilespmem:v1+s3+$0x0], $0xffff  }
0xdc: {  	v2 =	vor.u32 $0x80, v1;
	_ =	sdelay $0x3  }
0xdd: {  	v44 =	vld [tilespmem:$0x8160];
	[tilespmem:$0x8650] =	vst v0  }
0xde: {  	v0 =	vld.idx.msk [tilespmem:v2+s3+$0x0], $0xffff  }
0xdf: {  	v1 =	vor.u32 $0x100, v1;
	_ =	sdelay $0x3  }
0xe0: {  	v45 =	vshll.u32 v44, $0x2;
	[tilespmem:$0x86D0] =	vst v0  }
0xe1: {  	v2 =	vand.u32 $0x7F, v44;
	v0 =	vand.u32 $0xFFFFFE00, v45;
	v1 =	vld.idx.msk [tilespmem:v1+s3+$0x0], $0xffff  }
0xe2: {  	v0 =	vor.u32 v2, v0;
	_ =	sdelay $0x3  }
0xe3: {  	[tilespmem:$0x8750] =	vst v1  }
0xe4: {  	v1 =	vld.idx.msk [tilespmem:v0+s3+$0x0], $0xffff  }
0xe5: {  	v2 =	vor.u32 $0x80, v0;
	_ =	sdelay $0x3  }
0xe6: {  	v46 =	vld [tilespmem:$0x8170];
	[tilespmem:$0x8660] =	vst v1  }
0xe7: {  	v1 =	vld.idx.msk [tilespmem:v2+s3+$0x0], $0xffff  }
0xe8: {  	v0 =	vor.u32 $0x100, v0;
	_ =	sdelay $0x3  }
0xe9: {  	v47 =	vshll.u32 v46, $0x2;
	[tilespmem:$0x86E0] =	vst v1  }
0xea: {  	v2 =	vand.u32 $0x7F, v46;
	v1 =	vand.u32 $0xFFFFFE00, v47;
	v0 =	vld.idx.msk [tilespmem:v0+s3+$0x0], $0xffff  }
0xeb: {  	v1 =	vor.u32 v2, v1;
	_ =	sdelay $0x3  }
0xec: {  	[tilespmem:$0x8760] =	vst v0  }
0xed: {  	v0 =	vld.idx.msk [tilespmem:v1+s3+$0x0], $0xffff  }
0xee: {  	v2 =	vor.u32 $0x80, v1;
	_ =	sdelay $0x3  }
0xef: {  	v48 =	vld [tilespmem:$0x8180];
	[tilespmem:$0x8670] =	vst v0  }
0xf0: {  	v0 =	vld.idx.msk [tilespmem:v2+s3+$0x0], $0xffff  }
0xf1: {  	v1 =	vor.u32 $0x100, v1;
	_ =	sdelay $0x3  }
0xf2: {  	v49 =	vshll.u32 v48, $0x2;
	[tilespmem:$0x86F0] =	vst v0  }
0xf3: {  	v2 =	vand.u32 $0x7F, v48;
	v0 =	vand.u32 $0xFFFFFE00, v49;
	v1 =	vld.idx.msk [tilespmem:v1+s3+$0x0], $0xffff  }
0xf4: {  	v0 =	vor.u32 v2, v0;
	_ =	sdelay $0x3  }
0xf5: {  	[tilespmem:$0x8770] =	vst v1  }
0xf6: {  	v1 =	vld.idx.msk [tilespmem:v0+s3+$0x0], $0xffff  }
0xf7: {  	v2 =	vor.u32 $0x80, v0;
	_ =	sdelay $0x3  }
0xf8: {  	v50 =	vld [tilespmem:$0x8190];
	[tilespmem:$0x8800] =	vst v1  }
0xf9: {  	v1 =	vld.idx.msk [tilespmem:v2+s3+$0x0], $0xffff  }
0xfa: {  	v0 =	vor.u32 $0x100, v0;
	_ =	sdelay $0x3  }
0xfb: {  	v51 =	vshll.u32 v50, $0x2;
	[tilespmem:$0x8880] =	vst v1  }
0xfc: {  	v2 =	vand.u32 $0x7F, v50;
	v1 =	vand.u32 $0xFFFFFE00, v51;
	v0 =	vld.idx.msk [tilespmem:v0+s3+$0x0], $0xffff  }
0xfd: {  	v1 =	vor.u32 v2, v1;
	_ =	sdelay $0x3  }
0xfe: {  	[tilespmem:$0x8900] =	vst v0  }
0xff: {  	v0 =	vld.idx.msk [tilespmem:v1+s3+$0x0], $0xffff  }
0x100: {  	v2 =	vor.u32 $0x80, v1;
	_ =	sdelay $0x3  }
0x101: {  	v52 =	vld [tilespmem:$0x81A0];
	[tilespmem:$0x8810] =	vst v0  }
0x102: {  	v0 =	vld.idx.msk [tilespmem:v2+s3+$0x0], $0xffff  }
0x103: {  	v1 =	vor.u32 $0x100, v1;
	_ =	sdelay $0x3  }
0x104: {  	v53 =	vshll.u32 v52, $0x2;
	[tilespmem:$0x8890] =	vst v0  }
0x105: {  	v2 =	vand.u32 $0x7F, v52;
	v0 =	vand.u32 $0xFFFFFE00, v53;
	v1 =	vld.idx.msk [tilespmem:v1+s3+$0x0], $0xffff  }
0x106: {  	v0 =	vor.u32 v2, v0;
	_ =	sdelay $0x3  }
0x107: {  	[tilespmem:$0x8910] =	vst v1  }
0x108: {  	v1 =	vld.idx.msk [tilespmem:v0+s3+$0x0], $0xffff  }
0x109: {  	v2 =	vor.u32 $0x80, v0;
	_ =	sdelay $0x3  }
0x10a: {  	v54 =	vld [tilespmem:$0x81B0];
	[tilespmem:$0x8820] =	vst v1  }
0x10b: {  	v1 =	vld.idx.msk [tilespmem:v2+s3+$0x0], $0xffff  }
0x10c: {  	v0 =	vor.u32 $0x100, v0;
	_ =	sdelay $0x3  }
0x10d: {  	v55 =	vshll.u32 v54, $0x2;
	[tilespmem:$0x88A0] =	vst v1  }
0x10e: {  	v2 =	vand.u32 $0x7F, v54;
	v1 =	vand.u32 $0xFFFFFE00, v55;
	v0 =	vld.idx.msk [tilespmem:v0+s3+$0x0], $0xffff  }
0x10f: {  	v1 =	vor.u32 v2, v1;
	_ =	sdelay $0x3  }
0x110: {  	[tilespmem:$0x8920] =	vst v0  }
0x111: {  	v0 =	vld.idx.msk [tilespmem:v1+s3+$0x0], $0xffff  }
0x112: {  	v2 =	vor.u32 $0x80, v1;
	_ =	sdelay $0x3  }
0x113: {  	v56 =	vld [tilespmem:$0x81C0];
	[tilespmem:$0x8830] =	vst v0  }
0x114: {  	v0 =	vld.idx.msk [tilespmem:v2+s3+$0x0], $0xffff  }
0x115: {  	v1 =	vor.u32 $0x100, v1;
	_ =	sdelay $0x3  }
0x116: {  	v57 =	vshll.u32 v56, $0x2;
	[tilespmem:$0x88B0] =	vst v0  }
0x117: {  	v2 =	vand.u32 $0x7F, v56;
	v0 =	vand.u32 $0xFFFFFE00, v57;
	v1 =	vld.idx.msk [tilespmem:v1+s3+$0x0], $0xffff  }
0x118: {  	v0 =	vor.u32 v2, v0;
	_ =	sdelay $0x3  }
0x119: {  	[tilespmem:$0x8930] =	vst v1  }
0x11a: {  	v1 =	vld.idx.msk [tilespmem:v0+s3+$0x0], $0xffff  }
0x11b: {  	v2 =	vor.u32 $0x80, v0;
	_ =	sdelay $0x3  }
0x11c: {  	v58 =	vld [tilespmem:$0x81D0];
	[tilespmem:$0x8840] =	vst v1  }
0x11d: {  	v1 =	vld.idx.msk [tilespmem:v2+s3+$0x0], $0xffff  }
0x11e: {  	v0 =	vor.u32 $0x100, v0;
	_ =	sdelay $0x3  }
0x11f: {  	v59 =	vshll.u32 v58, $0x2;
	[tilespmem:$0x88C0] =	vst v1  }
0x120: {  	v2 =	vand.u32 $0x7F, v58;
	v1 =	vand.u32 $0xFFFFFE00, v59;
	v0 =	vld.idx.msk [tilespmem:v0+s3+$0x0], $0xffff  }
0x121: {  	v1 =	vor.u32 v2, v1;
	_ =	sdelay $0x3  }
0x122: {  	[tilespmem:$0x8940] =	vst v0  }
0x123: {  	v0 =	vld.idx.msk [tilespmem:v1+s3+$0x0], $0xffff  }
0x124: {  	v2 =	vor.u32 $0x80, v1;
	_ =	sdelay $0x3  }
0x125: {  	v60 =	vld [tilespmem:$0x81E0];
	[tilespmem:$0x8850] =	vst v0  }
0x126: {  	v0 =	vld.idx.msk [tilespmem:v2+s3+$0x0], $0xffff  }
0x127: {  	v1 =	vor.u32 $0x100, v1;
	_ =	sdelay $0x3  }
0x128: {  	v61 =	vshll.u32 v60, $0x2;
	[tilespmem:$0x88D0] =	vst v0  }
0x129: {  	v2 =	vand.u32 $0x7F, v60;
	v0 =	vand.u32 $0xFFFFFE00, v61;
	v1 =	vld.idx.msk [tilespmem:v1+s3+$0x0], $0xffff  }
0x12a: {  	v0 =	vor.u32 v2, v0;
	_ =	sdelay $0x3  }
0x12b: {  	[tilespmem:$0x8950] =	vst v1  }
0x12c: {  	v1 =	vld.idx.msk [tilespmem:v0+s3+$0x0], $0xffff  }
0x12d: {  	v2 =	vor.u32 $0x80, v0;
	_ =	sdelay $0x3  }
0x12e: {  	v62 =	vld [tilespmem:$0x81F0];
	[tilespmem:$0x8860] =	vst v1  }
0x12f: {  	v1 =	vld.idx.msk [tilespmem:v2+s3+$0x0], $0xffff  }
0x130: {  	v0 =	vor.u32 $0x100, v0;
	_ =	sdelay $0x3  }
0x131: {  	v63 =	vshll.u32 v62, $0x2;
	[tilespmem:$0x88E0] =	vst v1  }
0x132: {  	v2 =	vand.u32 $0x7F, v62;
	v1 =	vand.u32 $0xFFFFFE00, v63;
	v0 =	vld.idx.msk [tilespmem:v0+s3+$0x0], $0xffff  }
0x133: {  	v1 =	vor.u32 v2, v1;
	_ =	sdelay $0x3  }
0x134: {  	[tilespmem:$0x8960] =	vst v0  }
0x135: {  	v0 =	vld.idx.msk [tilespmem:v1+s3+$0x0], $0xffff  }
0x136: {  	v2 =	vor.u32 $0x80, v1;
	_ =	sdelay $0x3  }
0x137: {  	[tilespmem:$0x8870] =	vst v0  }
0x138: {  	v0 =	vld.idx.msk [tilespmem:v2+s3+$0x0], $0xffff  }
0x139: {  	v1 =	vor.u32 $0x100, v1;
	_ =	sdelay $0x3  }
0x13a: {  	[tilespmem:$0x88F0] =	vst v0  }
0x13b: {  	v0 =	vld.idx.msk [tilespmem:v1+s3+$0x0], $0xffff;
	_ =	sdelay $0x4  }
0x13c: {  	[tilespmem:$0x8970] =	vst v0  }
0x13d: {  	[hbm4b:s6+s3] =	stream.linear.scatter [tilespmem:s13], [sflag:$0x2], $0x400, $0x38;
	[tilespmem:$0x8A00] =	vst v63  }
0x13e: {  	_ =	swait.ge [sflag:s10], $0x400  }
0x13f: {  	p0 =	sne.s32 s8, $0x1;
	[sflag:s10] =	ssyncset.done $0x0  }
.Ltmp0:
0x140: {  	[sflag:s10] =	ssyncadd.s32 $0xFFFFFC00;
	(pc) =	sbr.rel @p0 .LBB2_1-.Ltmp0, $4  }
0x141: {  	[hbm4b:s7+s3] =	stream.linear.scatter [tilespmem:s14], [sflag:$0x2], $0x400, $0x38;
	[tilespmem:$0x8A00] =	vst v63  }
0x142: {  	_ =	swait.ge [sflag:s10], $0x400  }
0x143: {  	[sflag:s10] =	ssyncset.done $0x0  }
0x144: {  	s8 =	sadd.s32 $0xFFFFFFFF, s8;
	[sflag:s10] =	ssyncadd.s32 $0xFFFFFC00  }
0x145: {  	_ =	sfence.sel $0x180000  }
0x146: {  	[bflag:$0x0] =	sbarrier.arrive $0xFFFF  }
0x147: {  	p0 =	sne.s32 s2, $0x0;
	_ =	strace $0x90000047  }
0x148: {  	s0 =	sadd.s32 @!p0 $0x100000, s0;
	[bflag:$0x2] =	sbarrier.arrive $0xFFFF  }
0x149: {  	[sflag:s0] =	ssyncadd.tile.s32 @!p0 $0x1;
	_ =	shalt  }
.Lfunc_end2:
_tile_overlayer_lowered:
.L_overlay_start_2:
0x14a: {  	(tag) =	ssettag $0x2  }
0x14b: {  	s0 =	rddreg [dreg:$0x0];
	s2 =	stileid.u32  }
0x14c: {  	s1 =	rddreg [dreg:$0x1];
	p0 =	sne.s32 s2, $0x0  }
0x14d: {  	s3 =	rddreg [dreg:$0x2];
	[bflag:$0x3] =	sbarrier.arrive $0xFFFF;
	s2 =	simm.s32 @!p0 $0x1C02  }
0x14e: {  	[timem:s3], [sflag:s2] =	dma.local @!p0 [hbm:s0], s1  }
0x14f: {  	s0 =	simm.s32 @!p0 $0x2  }
0x150: {  	_ =	swait.ge @!p0 [sflag:s0], s1  }
0x151: {  	s1 =	ssub.s32 @!p0 $0x0, s1;
	[sflag:s0] =	ssyncset.done @!p0 $0x0  }
0x152: {  	[sflag:s0] =	ssyncadd.s32 @!p0 s1  }
0x153: {  	[bflag:$0x3] =	sbarrier.arrive $0xFFFF  }
0x154: {  	_ =	shalt  }

</sc_bundles>
